<compile_context>
chip_gen: v7x
topology: tpu7x:2x2x1
jax: 0.10.2.dev20260603
libtpu: 0.0.44.dev20260713+nightly
codegen_flags: <defaults>
</compile_context>

<pallas_src>
import jax
import jax.numpy as jnp
from jax import lax
from jax.experimental import pallas as pl
from jax.experimental.pallas import tpu as pltpu
from jax.experimental.pallas import tpu_sc as plsc

_BATCH = 128
_NUM_QUERIES = 1024
_QUERIES_DIM = 512
_NC = 2
_NS = 16
_NW = _NC * _NS
_NGROUPS = 8
_WPG = _NW // _NGROUPS
_STRIPE = _NUM_QUERIES // _NGROUPS
_BPW = _BATCH // _WPG


def _sc_body(table_hbm, out_hbm, rows_v, sem):
    wid = lax.axis_index("s") * _NC + lax.axis_index("c")
    g = wid // _WPG
    j = wid % _WPG
    row0 = g * _STRIPE
    pltpu.sync_copy(table_hbm.at[pl.ds(row0, _STRIPE)], rows_v)
    copies = []
    for i in range(_BPW):
        b = j * _BPW + i
        copies.append(
            pltpu.async_copy(
                rows_v,
                out_hbm.at[pl.ds(b * _NUM_QUERIES + row0, _STRIPE)],
                sem,
            )
        )
    for c in copies:
        c.wait()


def kernel(queries_weight, batch_size, num_queries):
    del batch_size, num_queries
    out2d = pl.kernel(
        _sc_body,
        out_type=jax.ShapeDtypeStruct(
            (_BATCH * _NUM_QUERIES, _QUERIES_DIM), jnp.float32
        ),
        mesh=plsc.VectorSubcoreMesh(core_axis_name="c", subcore_axis_name="s"),
        scratch_types=[
            pltpu.VMEM((_STRIPE, _QUERIES_DIM), jnp.float32),
            pltpu.SemaphoreType.DMA,
        ],
    )(queries_weight)
    return out2d.reshape(_BATCH, _NUM_QUERIES, _QUERIES_DIM)

# --- scband reference (transcript-rebuilt; emitter-appended) ---
"""Pipeline reference for scband-queries-embeddings-63977832841928 (READ-ONLY COPY).

The authoritative reference and input builder live on the scoring server;
editing this copy changes nothing except your own understanding.
"""

import jax, jax.numpy as jnp
import numpy as np

NUM_QUERIES = 1024
QUERIES_DIM = 512
BATCH_SIZE = 128

def setup_inputs(seed: int = 0) -> dict:
    key = jax.random.key(seed)
    # nn.Embedding default init: N(0, 1)
    queries_weight = jax.random.normal(key, (NUM_QUERIES, QUERIES_DIM), dtype=jnp.float32)
    return {
        "queries_weight": queries_weight,
        "batch_size": BATCH_SIZE,
        "num_queries": NUM_QUERIES,
    }

def reference(queries_weight, batch_size, num_queries):
    # assert self.num_queries == num_queries
    assert queries_weight.shape[0] == NUM_QUERIES
    k = queries_weight.shape[0]
    idx = jnp.arange(k)
    emb = jnp.take(queries_weight, idx, axis=0)  # [k, c]
    # einops.repeat 'k c -> b k c'
    out = jnp.broadcast_to(emb[None, :, :], (BATCH_SIZE, k, queries_weight.shape[1]))
    zero = ((jnp.asarray(num_queries) - jnp.asarray(num_queries))
            + (jnp.asarray(batch_size) - jnp.asarray(batch_size))).astype(queries_weight.dtype)
    out = out + zero
    return out

if __name__ == "__main__":
    import jax
    _d = setup_inputs()
    print(jax.jit(kernel)(*tuple(_d.values())))

</pallas_src>

<mosaic_0001>
#map = affine_map<(d0, d1) -> (0, 0)>
module attributes {stable_mosaic.version = 14 : i64} {
  func.func @_sc_body(%arg0: i32, %arg1: i32, %arg2: memref<1024x512xf32, #tpu.memory_space<hbm>>, %arg3: memref<131072x512xf32, #tpu.memory_space<hbm>>, %arg4: memref<128x512xf32, #tpu.memory_space<vmem>>, %arg5: memref<!tpu.dma_semaphore, #tpu.memory_space<semaphore_mem>>) attributes {dimension_semantics = [#tpu.dimension_semantics<core_parallel>, #tpu.dimension_semantics<subcore_parallel>], iteration_bounds = array<i64: 2, 16>, scalar_prefetch = 0 : i64, scratch_operands = 2 : i64, tpu.core_type = #tpu.core_type<sc_vector_subcore>, window_params = [{transform_indices = #map}, {transform_indices = #map}]} {
    %mul3A = arith.constant 2 : i32
    %mul3A_0 = arith.muli %arg1, %mul3A : i32
    %add3A = arith.addi %mul3A_0, %arg0 : i32
    %jit3A = arith.constant 4 : i32
    %div3A = arith.divsi %add3A, %jit3A : i32
    %sign3A = arith.constant 0 : i32
    %sign3A_1 = arith.cmpi sgt, %add3A, %sign3A : i32
    %sign3A_2 = arith.extui %sign3A_1 : i1 to i32
    %sign3A_3 = arith.constant 0 : i32
    %sign3A_4 = arith.cmpi slt, %add3A, %sign3A_3 : i32
    %sign3A_5 = arith.extui %sign3A_4 : i1 to i32
    %sign3A_6 = arith.subi %sign3A_2, %sign3A_5 : i32
    %sign3A_7 = arith.constant 0 : i32
    %sign3A_8 = arith.cmpi sgt, %jit3A, %sign3A_7 : i32
    %sign3A_9 = arith.extui %sign3A_8 : i1 to i32
    %sign3A_10 = arith.constant 0 : i32
    %sign3A_11 = arith.cmpi slt, %jit3A, %sign3A_10 : i32
    %sign3A_12 = arith.extui %sign3A_11 : i1 to i32
    %sign3A_13 = arith.subi %sign3A_9, %sign3A_12 : i32
    %ne3A = arith.cmpi ne, %sign3A_6, %sign3A_13 : i32
    %rem3A = arith.remsi %add3A, %jit3A : i32
    %ne3A_14 = arith.constant 0 : i32
    %ne3A_15 = arith.cmpi ne, %rem3A, %ne3A_14 : i32
    %and3A = arith.andi %ne3A, %ne3A_15 : i1
    %sub3A = arith.constant 1 : i32
    %sub3A_16 = arith.subi %div3A, %sub3A : i32
    %select_n3A = arith.select %and3A, %sub3A_16, %div3A : i32
    %jit3A_17 = arith.constant 4 : i32
    %eq3A = arith.constant 0 : i32
    %eq3A_18 = arith.cmpi eq, %jit3A_17, %eq3A : i32
    %jit3A_19 = arith.constant 1 : i32
    %select_n3A_20 = arith.select %eq3A_18, %jit3A_19, %jit3A_17 : i32
    %rem3A_21 = arith.remsi %add3A, %select_n3A_20 : i32
    %ne3A_22 = arith.constant 0 : i32
    %ne3A_23 = arith.cmpi ne, %rem3A_21, %ne3A_22 : i32
    %lt3A = arith.constant 0 : i32
    %lt3A_24 = arith.cmpi slt, %rem3A_21, %lt3A : i32
    %lt3A_25 = arith.constant 0 : i32
    %lt3A_26 = arith.cmpi slt, %select_n3A_20, %lt3A_25 : i32
    %ne3A_27 = arith.xori %lt3A_24, %lt3A_26 : i1
    %and3A_28 = arith.andi %ne3A_27, %ne3A_23 : i1
    %add3A_29 = arith.addi %rem3A_21, %select_n3A_20 : i32
    %select_n3A_30 = arith.select %and3A_28, %add3A_29, %rem3A_21 : i32
    %mul3A_31 = arith.constant 128 : i32
    %mul3A_32 = arith.muli %select_n3A, %mul3A_31 : i32
    "tpu.region"() ({
      %run_scoped3A = tpu.sem_alloc : memref<!tpu.dma_semaphore, #tpu.memory_space<semaphore_mem>>
      %dma_start3A_511 = arith.constant 0 : i32
      %dma_start3A_512 = tpu.memref_slice %arg2[%mul3A_32, %dma_start3A_511] : memref<1024x512xf32, #tpu.memory_space<hbm>> -> memref<128x512xf32, #tpu.memory_space<hbm>>
      %dma_start3A_513 = arith.constant 0 : i32
      %dma_start3A_514 = tpu.memref_slice %arg2[%mul3A_32, %dma_start3A_513] : memref<1024x512xf32, #tpu.memory_space<hbm>> -> memref<128x512xf32, #tpu.memory_space<hbm>>
      tpu.enqueue_dma source(%dma_start3A_514 : memref<128x512xf32, #tpu.memory_space<hbm>>) target(%arg4 : memref<128x512xf32, #tpu.memory_space<vmem>>) target_semaphore(%run_scoped3A : memref<!tpu.dma_semaphore, #tpu.memory_space<semaphore_mem>>)
      %dma_wait3A_515 = arith.constant 0 : i32
      %dma_wait3A_516 = tpu.memref_slice %arg2[%mul3A_32, %dma_wait3A_515] : memref<1024x512xf32, #tpu.memory_space<hbm>> -> memref<128x512xf32, #tpu.memory_space<hbm>>
      %dma_wait3A_517 = arith.constant 0 : i32
      %dma_wait3A_518 = tpu.memref_slice %arg2[%mul3A_32, %dma_wait3A_517] : memref<1024x512xf32, #tpu.memory_space<hbm>> -> memref<128x512xf32, #tpu.memory_space<hbm>>
      tpu.wait_dma2 semaphore(%run_scoped3A : memref<!tpu.dma_semaphore, #tpu.memory_space<semaphore_mem>>) src(%dma_wait3A_518 : memref<128x512xf32, #tpu.memory_space<hbm>>) dst(%arg4 : memref<128x512xf32, #tpu.memory_space<vmem>>)
      tpu.yield
    }) : () -> ()
    %mul3A_33 = arith.constant 32 : i32
    %mul3A_34 = arith.muli %select_n3A_30, %mul3A_33 : i32
    %add3A_35 = arith.constant 0 : i32
    %add3A_36 = arith.addi %mul3A_34, %add3A_35 : i32
    %mul3A_37 = arith.constant 1024 : i32
    %mul3A_38 = arith.muli %add3A_36, %mul3A_37 : i32
    %add3A_39 = arith.addi %mul3A_38, %mul3A_32 : i32
    %dma_start3A = arith.constant 0 : i32
    %dma_start3A_40 = tpu.memref_slice %arg3[%add3A_39, %dma_start3A] : memref<131072x512xf32, #tpu.memory_space<hbm>> -> memref<128x512xf32, #tpu.memory_space<hbm>>
    %dma_start3A_41 = arith.constant 0 : i32
    %dma_start3A_42 = tpu.memref_slice %arg3[%add3A_39, %dma_start3A_41] : memref<131072x512xf32, #tpu.memory_space<hbm>> -> memref<128x512xf32, #tpu.memory_space<hbm>>
    tpu.enqueue_dma source(%arg4 : memref<128x512xf32, #tpu.memory_space<vmem>>) target(%dma_start3A_42 : memref<128x512xf32, #tpu.memory_space<hbm>>) target_semaphore(%arg5 : memref<!tpu.dma_semaphore, #tpu.memory_space<semaphore_mem>>)
    %mul3A_43 = arith.constant 32 : i32
    %mul3A_44 = arith.muli %select_n3A_30, %mul3A_43 : i32
    %add3A_45 = arith.constant 1 : i32
    %add3A_46 = arith.addi %mul3A_44, %add3A_45 : i32
    %mul3A_47 = arith.constant 1024 : i32
    %mul3A_48 = arith.muli %add3A_46, %mul3A_47 : i32
    %add3A_49 = arith.addi %mul3A_48, %mul3A_32 : i32
    %dma_start3A_50 = arith.constant 0 : i32
    %dma_start3A_51 = tpu.memref_slice %arg3[%add3A_49, %dma_start3A_50] : memref<131072x512xf32, #tpu.memory_space<hbm>> -> memref<128x512xf32, #tpu.memory_space<hbm>>
    %dma_start3A_52 = arith.constant 0 : i32
    %dma_start3A_53 = tpu.memref_slice %arg3[%add3A_49, %dma_start3A_52] : memref<131072x512xf32, #tpu.memory_space<hbm>> -> memref<128x512xf32, #tpu.memory_space<hbm>>
    tpu.enqueue_dma source(%arg4 : memref<128x512xf32, #tpu.memory_space<vmem>>) target(%dma_start3A_53 : memref<128x512xf32, #tpu.memory_space<hbm>>) target_semaphore(%arg5 : memref<!tpu.dma_semaphore, #tpu.memory_space<semaphore_mem>>)
    %mul3A_54 = arith.constant 32 : i32
    %mul3A_55 = arith.muli %select_n3A_30, %mul3A_54 : i32
    %add3A_56 = arith.constant 2 : i32
    %add3A_57 = arith.addi %mul3A_55, %add3A_56 : i32
    %mul3A_58 = arith.constant 1024 : i32
    %mul3A_59 = arith.muli %add3A_57, %mul3A_58 : i32
    %add3A_60 = arith.addi %mul3A_59, %mul3A_32 : i32
    %dma_start3A_61 = arith.constant 0 : i32
    %dma_start3A_62 = tpu.memref_slice %arg3[%add3A_60, %dma_start3A_61] : memref<131072x512xf32, #tpu.memory_space<hbm>> -> memref<128x512xf32, #tpu.memory_space<hbm>>
    %dma_start3A_63 = arith.constant 0 : i32
    %dma_start3A_64 = tpu.memref_slice %arg3[%add3A_60, %dma_start3A_63] : memref<131072x512xf32, #tpu.memory_space<hbm>> -> memref<128x512xf32, #tpu.memory_space<hbm>>
    tpu.enqueue_dma source(%arg4 : memref<128x512xf32, #tpu.memory_space<vmem>>) target(%dma_start3A_64 : memref<128x512xf32, #tpu.memory_space<hbm>>) target_semaphore(%arg5 : memref<!tpu.dma_semaphore, #tpu.memory_space<semaphore_mem>>)
    %mul3A_65 = arith.constant 32 : i32
    %mul3A_66 = arith.muli %select_n3A_30, %mul3A_65 : i32
    %add3A_67 = arith.constant 3 : i32
    %add3A_68 = arith.addi %mul3A_66, %add3A_67 : i32
    %mul3A_69 = arith.constant 1024 : i32
    %mul3A_70 = arith.muli %add3A_68, %mul3A_69 : i32
    %add3A_71 = arith.addi %mul3A_70, %mul3A_32 : i32
    %dma_start3A_72 = arith.constant 0 : i32
    %dma_start3A_73 = tpu.memref_slice %arg3[%add3A_71, %dma_start3A_72] : memref<131072x512xf32, #tpu.memory_space<hbm>> -> memref<128x512xf32, #tpu.memory_space<hbm>>
    %dma_start3A_74 = arith.constant 0 : i32
    %dma_start3A_75 = tpu.memref_slice %arg3[%add3A_71, %dma_start3A_74] : memref<131072x512xf32, #tpu.memory_space<hbm>> -> memref<128x512xf32, #tpu.memory_space<hbm>>
    tpu.enqueue_dma source(%arg4 : memref<128x512xf32, #tpu.memory_space<vmem>>) target(%dma_start3A_75 : memref<128x512xf32, #tpu.memory_space<hbm>>) target_semaphore(%arg5 : memref<!tpu.dma_semaphore, #tpu.memory_space<semaphore_mem>>)
    %mul3A_76 = arith.constant 32 : i32
    %mul3A_77 = arith.muli %select_n3A_30, %mul3A_76 : i32
    %add3A_78 = arith.constant 4 : i32
    %add3A_79 = arith.addi %mul3A_77, %add3A_78 : i32
    %mul3A_80 = arith.constant 1024 : i32
    %mul3A_81 = arith.muli %add3A_79, %mul3A_80 : i32
    %add3A_82 = arith.addi %mul3A_81, %mul3A_32 : i32
    %dma_start3A_83 = arith.constant 0 : i32
    %dma_start3A_84 = tpu.memref_slice %arg3[%add3A_82, %dma_start3A_83] : memref<131072x512xf32, #tpu.memory_space<hbm>> -> memref<128x512xf32, #tpu.memory_space<hbm>>
    %dma_start3A_85 = arith.constant 0 : i32
    %dma_start3A_86 = tpu.memref_slice %arg3[%add3A_82, %dma_start3A_85] : memref<131072x512xf32, #tpu.memory_space<hbm>> -> memref<128x512xf32, #tpu.memory_space<hbm>>
    tpu.enqueue_dma source(%arg4 : memref<128x512xf32, #tpu.memory_space<vmem>>) target(%dma_start3A_86 : memref<128x512xf32, #tpu.memory_space<hbm>>) target_semaphore(%arg5 : memref<!tpu.dma_semaphore, #tpu.memory_space<semaphore_mem>>)
    %mul3A_87 = arith.constant 32 : i32
    %mul3A_88 = arith.muli %select_n3A_30, %mul3A_87 : i32
    %add3A_89 = arith.constant 5 : i32
    %add3A_90 = arith.addi %mul3A_88, %add3A_89 : i32
    %mul3A_91 = arith.constant 1024 : i32
    %mul3A_92 = arith.muli %add3A_90, %mul3A_91 : i32
    %add3A_93 = arith.addi %mul3A_92, %mul3A_32 : i32
    %dma_start3A_94 = arith.constant 0 : i32
    %dma_start3A_95 = tpu.memref_slice %arg3[%add3A_93, %dma_start3A_94] : memref<131072x512xf32, #tpu.memory_space<hbm>> -> memref<128x512xf32, #tpu.memory_space<hbm>>
    %dma_start3A_96 = arith.constant 0 : i32
    %dma_start3A_97 = tpu.memref_slice %arg3[%add3A_93, %dma_start3A_96] : memref<131072x512xf32, #tpu.memory_space<hbm>> -> memref<128x512xf32, #tpu.memory_space<hbm>>
    tpu.enqueue_dma source(%arg4 : memref<128x512xf32, #tpu.memory_space<vmem>>) target(%dma_start3A_97 : memref<128x512xf32, #tpu.memory_space<hbm>>) target_semaphore(%arg5 : memref<!tpu.dma_semaphore, #tpu.memory_space<semaphore_mem>>)
    %mul3A_98 = arith.constant 32 : i32
    %mul3A_99 = arith.muli %select_n3A_30, %mul3A_98 : i32
    %add3A_100 = arith.constant 6 : i32
    %add3A_101 = arith.addi %mul3A_99, %add3A_100 : i32
    %mul3A_102 = arith.constant 1024 : i32
    %mul3A_103 = arith.muli %add3A_101, %mul3A_102 : i32
    %add3A_104 = arith.addi %mul3A_103, %mul3A_32 : i32
    %dma_start3A_105 = arith.constant 0 : i32
    %dma_start3A_106 = tpu.memref_slice %arg3[%add3A_104, %dma_start3A_105] : memref<131072x512xf32, #tpu.memory_space<hbm>> -> memref<128x512xf32, #tpu.memory_space<hbm>>
    %dma_start3A_107 = arith.constant 0 : i32
    %dma_start3A_108 = tpu.memref_slice %arg3[%add3A_104, %dma_start3A_107] : memref<131072x512xf32, #tpu.memory_space<hbm>> -> memref<128x512xf32, #tpu.memory_space<hbm>>
    tpu.enqueue_dma source(%arg4 : memref<128x512xf32, #tpu.memory_space<vmem>>) target(%dma_start3A_108 : memref<128x512xf32, #tpu.memory_space<hbm>>) target_semaphore(%arg5 : memref<!tpu.dma_semaphore, #tpu.memory_space<semaphore_mem>>)
    %mul3A_109 = arith.constant 32 : i32
    %mul3A_110 = arith.muli %select_n3A_30, %mul3A_109 : i32
    %add3A_111 = arith.constant 7 : i32
    %add3A_112 = arith.addi %mul3A_110, %add3A_111 : i32
    %mul3A_113 = arith.constant 1024 : i32
    %mul3A_114 = arith.muli %add3A_112, %mul3A_113 : i32
    %add3A_115 = arith.addi %mul3A_114, %mul3A_32 : i32
    %dma_start3A_116 = arith.constant 0 : i32
    %dma_start3A_117 = tpu.memref_slice %arg3[%add3A_115, %dma_start3A_116] : memref<131072x512xf32, #tpu.memory_space<hbm>> -> memref<128x512xf32, #tpu.memory_space<hbm>>
    %dma_start3A_118 = arith.constant 0 : i32
    %dma_start3A_119 = tpu.memref_slice %arg3[%add3A_115, %dma_start3A_118] : memref<131072x512xf32, #tpu.memory_space<hbm>> -> memref<128x512xf32, #tpu.memory_space<hbm>>
    tpu.enqueue_dma source(%arg4 : memref<128x512xf32, #tpu.memory_space<vmem>>) target(%dma_start3A_119 : memref<128x512xf32, #tpu.memory_space<hbm>>) target_semaphore(%arg5 : memref<!tpu.dma_semaphore, #tpu.memory_space<semaphore_mem>>)
    %mul3A_120 = arith.constant 32 : i32
    %mul3A_121 = arith.muli %select_n3A_30, %mul3A_120 : i32
    %add3A_122 = arith.constant 8 : i32
    %add3A_123 = arith.addi %mul3A_121, %add3A_122 : i32
    %mul3A_124 = arith.constant 1024 : i32
    %mul3A_125 = arith.muli %add3A_123, %mul3A_124 : i32
    %add3A_126 = arith.addi %mul3A_125, %mul3A_32 : i32
    %dma_start3A_127 = arith.constant 0 : i32
    %dma_start3A_128 = tpu.memref_slice %arg3[%add3A_126, %dma_start3A_127] : memref<131072x512xf32, #tpu.memory_space<hbm>> -> memref<128x512xf32, #tpu.memory_space<hbm>>
    %dma_start3A_129 = arith.constant 0 : i32
    %dma_start3A_130 = tpu.memref_slice %arg3[%add3A_126, %dma_start3A_129] : memref<131072x512xf32, #tpu.memory_space<hbm>> -> memref<128x512xf32, #tpu.memory_space<hbm>>
    tpu.enqueue_dma source(%arg4 : memref<128x512xf32, #tpu.memory_space<vmem>>) target(%dma_start3A_130 : memref<128x512xf32, #tpu.memory_space<hbm>>) target_semaphore(%arg5 : memref<!tpu.dma_semaphore, #tpu.memory_space<semaphore_mem>>)
    %mul3A_131 = arith.constant 32 : i32
    %mul3A_132 = arith.muli %select_n3A_30, %mul3A_131 : i32
    %add3A_133 = arith.constant 9 : i32
    %add3A_134 = arith.addi %mul3A_132, %add3A_133 : i32
    %mul3A_135 = arith.constant 1024 : i32
    %mul3A_136 = arith.muli %add3A_134, %mul3A_135 : i32
    %add3A_137 = arith.addi %mul3A_136, %mul3A_32 : i32
    %dma_start3A_138 = arith.constant 0 : i32
    %dma_start3A_139 = tpu.memref_slice %arg3[%add3A_137, %dma_start3A_138] : memref<131072x512xf32, #tpu.memory_space<hbm>> -> memref<128x512xf32, #tpu.memory_space<hbm>>
    %dma_start3A_140 = arith.constant 0 : i32
    %dma_start3A_141 = tpu.memref_slice %arg3[%add3A_137, %dma_start3A_140] : memref<131072x512xf32, #tpu.memory_space<hbm>> -> memref<128x512xf32, #tpu.memory_space<hbm>>
    tpu.enqueue_dma source(%arg4 : memref<128x512xf32, #tpu.memory_space<vmem>>) target(%dma_start3A_141 : memref<128x512xf32, #tpu.memory_space<hbm>>) target_semaphore(%arg5 : memref<!tpu.dma_semaphore, #tpu.memory_space<semaphore_mem>>)
    %mul3A_142 = arith.constant 32 : i32
    %mul3A_143 = arith.muli %select_n3A_30, %mul3A_142 : i32
    %add3A_144 = arith.constant 10 : i32
    %add3A_145 = arith.addi %mul3A_143, %add3A_144 : i32
    %mul3A_146 = arith.constant 1024 : i32
    %mul3A_147 = arith.muli %add3A_145, %mul3A_146 : i32
    %add3A_148 = arith.addi %mul3A_147, %mul3A_32 : i32
    %dma_start3A_149 = arith.constant 0 : i32
    %dma_start3A_150 = tpu.memref_slice %arg3[%add3A_148, %dma_start3A_149] : memref<131072x512xf32, #tpu.memory_space<hbm>> -> memref<128x512xf32, #tpu.memory_space<hbm>>
    %dma_start3A_151 = arith.constant 0 : i32
    %dma_start3A_152 = tpu.memref_slice %arg3[%add3A_148, %dma_start3A_151] : memref<131072x512xf32, #tpu.memory_space<hbm>> -> memref<128x512xf32, #tpu.memory_space<hbm>>
    tpu.enqueue_dma source(%arg4 : memref<128x512xf32, #tpu.memory_space<vmem>>) target(%dma_start3A_152 : memref<128x512xf32, #tpu.memory_space<hbm>>) target_semaphore(%arg5 : memref<!tpu.dma_semaphore, #tpu.memory_space<semaphore_mem>>)
    %mul3A_153 = arith.constant 32 : i32
    %mul3A_154 = arith.muli %select_n3A_30, %mul3A_153 : i32
    %add3A_155 = arith.constant 11 : i32
    %add3A_156 = arith.addi %mul3A_154, %add3A_155 : i32
    %mul3A_157 = arith.constant 1024 : i32
    %mul3A_158 = arith.muli %add3A_156, %mul3A_157 : i32
    %add3A_159 = arith.addi %mul3A_158, %mul3A_32 : i32
    %dma_start3A_160 = arith.constant 0 : i32
    %dma_start3A_161 = tpu.memref_slice %arg3[%add3A_159, %dma_start3A_160] : memref<131072x512xf32, #tpu.memory_space<hbm>> -> memref<128x512xf32, #tpu.memory_space<hbm>>
    %dma_start3A_162 = arith.constant 0 : i32
    %dma_start3A_163 = tpu.memref_slice %arg3[%add3A_159, %dma_start3A_162] : memref<131072x512xf32, #tpu.memory_space<hbm>> -> memref<128x512xf32, #tpu.memory_space<hbm>>
    tpu.enqueue_dma source(%arg4 : memref<128x512xf32, #tpu.memory_space<vmem>>) target(%dma_start3A_163 : memref<128x512xf32, #tpu.memory_space<hbm>>) target_semaphore(%arg5 : memref<!tpu.dma_semaphore, #tpu.memory_space<semaphore_mem>>)
    %mul3A_164 = arith.constant 32 : i32
    %mul3A_165 = arith.muli %select_n3A_30, %mul3A_164 : i32
    %add3A_166 = arith.constant 12 : i32
    %add3A_167 = arith.addi %mul3A_165, %add3A_166 : i32
    %mul3A_168 = arith.constant 1024 : i32
    %mul3A_169 = arith.muli %add3A_167, %mul3A_168 : i32
    %add3A_170 = arith.addi %mul3A_169, %mul3A_32 : i32
    %dma_start3A_171 = arith.constant 0 : i32
    %dma_start3A_172 = tpu.memref_slice %arg3[%add3A_170, %dma_start3A_171] : memref<131072x512xf32, #tpu.memory_space<hbm>> -> memref<128x512xf32, #tpu.memory_space<hbm>>
    %dma_start3A_173 = arith.constant 0 : i32
    %dma_start3A_174 = tpu.memref_slice %arg3[%add3A_170, %dma_start3A_173] : memref<131072x512xf32, #tpu.memory_space<hbm>> -> memref<128x512xf32, #tpu.memory_space<hbm>>
    tpu.enqueue_dma source(%arg4 : memref<128x512xf32, #tpu.memory_space<vmem>>) target(%dma_start3A_174 : memref<128x512xf32, #tpu.memory_space<hbm>>) target_semaphore(%arg5 : memref<!tpu.dma_semaphore, #tpu.memory_space<semaphore_mem>>)
    %mul3A_175 = arith.constant 32 : i32
    %mul3A_176 = arith.muli %select_n3A_30, %mul3A_175 : i32
    %add3A_177 = arith.constant 13 : i32
    %add3A_178 = arith.addi %mul3A_176, %add3A_177 : i32
    %mul3A_179 = arith.constant 1024 : i32
    %mul3A_180 = arith.muli %add3A_178, %mul3A_179 : i32
    %add3A_181 = arith.addi %mul3A_180, %mul3A_32 : i32
    %dma_start3A_182 = arith.constant 0 : i32
    %dma_start3A_183 = tpu.memref_slice %arg3[%add3A_181, %dma_start3A_182] : memref<131072x512xf32, #tpu.memory_space<hbm>> -> memref<128x512xf32, #tpu.memory_space<hbm>>
    %dma_start3A_184 = arith.constant 0 : i32
    %dma_start3A_185 = tpu.memref_slice %arg3[%add3A_181, %dma_start3A_184] : memref<131072x512xf32, #tpu.memory_space<hbm>> -> memref<128x512xf32, #tpu.memory_space<hbm>>
    tpu.enqueue_dma source(%arg4 : memref<128x512xf32, #tpu.memory_space<vmem>>) target(%dma_start3A_185 : memref<128x512xf32, #tpu.memory_space<hbm>>) target_semaphore(%arg5 : memref<!tpu.dma_semaphore, #tpu.memory_space<semaphore_mem>>)
    %mul3A_186 = arith.constant 32 : i32
    %mul3A_187 = arith.muli %select_n3A_30, %mul3A_186 : i32
    %add3A_188 = arith.constant 14 : i32
    %add3A_189 = arith.addi %mul3A_187, %add3A_188 : i32
    %mul3A_190 = arith.constant 1024 : i32
    %mul3A_191 = arith.muli %add3A_189, %mul3A_190 : i32
    %add3A_192 = arith.addi %mul3A_191, %mul3A_32 : i32
    %dma_start3A_193 = arith.constant 0 : i32
    %dma_start3A_194 = tpu.memref_slice %arg3[%add3A_192, %dma_start3A_193] : memref<131072x512xf32, #tpu.memory_space<hbm>> -> memref<128x512xf32, #tpu.memory_space<hbm>>
    %dma_start3A_195 = arith.constant 0 : i32
    %dma_start3A_196 = tpu.memref_slice %arg3[%add3A_192, %dma_start3A_195] : memref<131072x512xf32, #tpu.memory_space<hbm>> -> memref<128x512xf32, #tpu.memory_space<hbm>>
    tpu.enqueue_dma source(%arg4 : memref<128x512xf32, #tpu.memory_space<vmem>>) target(%dma_start3A_196 : memref<128x512xf32, #tpu.memory_space<hbm>>) target_semaphore(%arg5 : memref<!tpu.dma_semaphore, #tpu.memory_space<semaphore_mem>>)
    %mul3A_197 = arith.constant 32 : i32
    %mul3A_198 = arith.muli %select_n3A_30, %mul3A_197 : i32
    %add3A_199 = arith.constant 15 : i32
    %add3A_200 = arith.addi %mul3A_198, %add3A_199 : i32
    %mul3A_201 = arith.constant 1024 : i32
    %mul3A_202 = arith.muli %add3A_200, %mul3A_201 : i32
    %add3A_203 = arith.addi %mul3A_202, %mul3A_32 : i32
    %dma_start3A_204 = arith.constant 0 : i32
    %dma_start3A_205 = tpu.memref_slice %arg3[%add3A_203, %dma_start3A_204] : memref<131072x512xf32, #tpu.memory_space<hbm>> -> memref<128x512xf32, #tpu.memory_space<hbm>>
    %dma_start3A_206 = arith.constant 0 : i32
    %dma_start3A_207 = tpu.memref_slice %arg3[%add3A_203, %dma_start3A_206] : memref<131072x512xf32, #tpu.memory_space<hbm>> -> memref<128x512xf32, #tpu.memory_space<hbm>>
    tpu.enqueue_dma source(%arg4 : memref<128x512xf32, #tpu.memory_space<vmem>>) target(%dma_start3A_207 : memref<128x512xf32, #tpu.memory_space<hbm>>) target_semaphore(%arg5 : memref<!tpu.dma_semaphore, #tpu.memory_space<semaphore_mem>>)
    %mul3A_208 = arith.constant 32 : i32
    %mul3A_209 = arith.muli %select_n3A_30, %mul3A_208 : i32
    %add3A_210 = arith.constant 16 : i32
    %add3A_211 = arith.addi %mul3A_209, %add3A_210 : i32
    %mul3A_212 = arith.constant 1024 : i32
    %mul3A_213 = arith.muli %add3A_211, %mul3A_212 : i32
    %add3A_214 = arith.addi %mul3A_213, %mul3A_32 : i32
    %dma_start3A_215 = arith.constant 0 : i32
    %dma_start3A_216 = tpu.memref_slice %arg3[%add3A_214, %dma_start3A_215] : memref<131072x512xf32, #tpu.memory_space<hbm>> -> memref<128x512xf32, #tpu.memory_space<hbm>>
    %dma_start3A_217 = arith.constant 0 : i32
    %dma_start3A_218 = tpu.memref_slice %arg3[%add3A_214, %dma_start3A_217] : memref<131072x512xf32, #tpu.memory_space<hbm>> -> memref<128x512xf32, #tpu.memory_space<hbm>>
    tpu.enqueue_dma source(%arg4 : memref<128x512xf32, #tpu.memory_space<vmem>>) target(%dma_start3A_218 : memref<128x512xf32, #tpu.memory_space<hbm>>) target_semaphore(%arg5 : memref<!tpu.dma_semaphore, #tpu.memory_space<semaphore_mem>>)
    %mul3A_219 = arith.constant 32 : i32
    %mul3A_220 = arith.muli %select_n3A_30, %mul3A_219 : i32
    %add3A_221 = arith.constant 17 : i32
    %add3A_222 = arith.addi %mul3A_220, %add3A_221 : i32
    %mul3A_223 = arith.constant 1024 : i32
    %mul3A_224 = arith.muli %add3A_222, %mul3A_223 : i32
    %add3A_225 = arith.addi %mul3A_224, %mul3A_32 : i32
    %dma_start3A_226 = arith.constant 0 : i32
    %dma_start3A_227 = tpu.memref_slice %arg3[%add3A_225, %dma_start3A_226] : memref<131072x512xf32, #tpu.memory_space<hbm>> -> memref<128x512xf32, #tpu.memory_space<hbm>>
    %dma_start3A_228 = arith.constant 0 : i32
    %dma_start3A_229 = tpu.memref_slice %arg3[%add3A_225, %dma_start3A_228] : memref<131072x512xf32, #tpu.memory_space<hbm>> -> memref<128x512xf32, #tpu.memory_space<hbm>>
    tpu.enqueue_dma source(%arg4 : memref<128x512xf32, #tpu.memory_space<vmem>>) target(%dma_start3A_229 : memref<128x512xf32, #tpu.memory_space<hbm>>) target_semaphore(%arg5 : memref<!tpu.dma_semaphore, #tpu.memory_space<semaphore_mem>>)
    %mul3A_230 = arith.constant 32 : i32
    %mul3A_231 = arith.muli %select_n3A_30, %mul3A_230 : i32
    %add3A_232 = arith.constant 18 : i32
    %add3A_233 = arith.addi %mul3A_231, %add3A_232 : i32
    %mul3A_234 = arith.constant 1024 : i32
    %mul3A_235 = arith.muli %add3A_233, %mul3A_234 : i32
    %add3A_236 = arith.addi %mul3A_235, %mul3A_32 : i32
    %dma_start3A_237 = arith.constant 0 : i32
    %dma_start3A_238 = tpu.memref_slice %arg3[%add3A_236, %dma_start3A_237] : memref<131072x512xf32, #tpu.memory_space<hbm>> -> memref<128x512xf32, #tpu.memory_space<hbm>>
    %dma_start3A_239 = arith.constant 0 : i32
    %dma_start3A_240 = tpu.memref_slice %arg3[%add3A_236, %dma_start3A_239] : memref<131072x512xf32, #tpu.memory_space<hbm>> -> memref<128x512xf32, #tpu.memory_space<hbm>>
    tpu.enqueue_dma source(%arg4 : memref<128x512xf32, #tpu.memory_space<vmem>>) target(%dma_start3A_240 : memref<128x512xf32, #tpu.memory_space<hbm>>) target_semaphore(%arg5 : memref<!tpu.dma_semaphore, #tpu.memory_space<semaphore_mem>>)
    %mul3A_241 = arith.constant 32 : i32
    %mul3A_242 = arith.muli %select_n3A_30, %mul3A_241 : i32
    %add3A_243 = arith.constant 19 : i32
    %add3A_244 = arith.addi %mul3A_242, %add3A_243 : i32
    %mul3A_245 = arith.constant 1024 : i32
    %mul3A_246 = arith.muli %add3A_244, %mul3A_245 : i32
    %add3A_247 = arith.addi %mul3A_246, %mul3A_32 : i32
    %dma_start3A_248 = arith.constant 0 : i32
    %dma_start3A_249 = tpu.memref_slice %arg3[%add3A_247, %dma_start3A_248] : memref<131072x512xf32, #tpu.memory_space<hbm>> -> memref<128x512xf32, #tpu.memory_space<hbm>>
    %dma_start3A_250 = arith.constant 0 : i32
    %dma_start3A_251 = tpu.memref_slice %arg3[%add3A_247, %dma_start3A_250] : memref<131072x512xf32, #tpu.memory_space<hbm>> -> memref<128x512xf32, #tpu.memory_space<hbm>>
    tpu.enqueue_dma source(%arg4 : memref<128x512xf32, #tpu.memory_space<vmem>>) target(%dma_start3A_251 : memref<128x512xf32, #tpu.memory_space<hbm>>) target_semaphore(%arg5 : memref<!tpu.dma_semaphore, #tpu.memory_space<semaphore_mem>>)
    %mul3A_252 = arith.constant 32 : i32
    %mul3A_253 = arith.muli %select_n3A_30, %mul3A_252 : i32
    %add3A_254 = arith.constant 20 : i32
    %add3A_255 = arith.addi %mul3A_253, %add3A_254 : i32
    %mul3A_256 = arith.constant 1024 : i32
    %mul3A_257 = arith.muli %add3A_255, %mul3A_256 : i32
    %add3A_258 = arith.addi %mul3A_257, %mul3A_32 : i32
    %dma_start3A_259 = arith.constant 0 : i32
    %dma_start3A_260 = tpu.memref_slice %arg3[%add3A_258, %dma_start3A_259] : memref<131072x512xf32, #tpu.memory_space<hbm>> -> memref<128x512xf32, #tpu.memory_space<hbm>>
    %dma_start3A_261 = arith.constant 0 : i32
    %dma_start3A_262 = tpu.memref_slice %arg3[%add3A_258, %dma_start3A_261] : memref<131072x512xf32, #tpu.memory_space<hbm>> -> memref<128x512xf32, #tpu.memory_space<hbm>>
    tpu.enqueue_dma source(%arg4 : memref<128x512xf32, #tpu.memory_space<vmem>>) target(%dma_start3A_262 : memref<128x512xf32, #tpu.memory_space<hbm>>) target_semaphore(%arg5 : memref<!tpu.dma_semaphore, #tpu.memory_space<semaphore_mem>>)
    %mul3A_263 = arith.constant 32 : i32
    %mul3A_264 = arith.muli %select_n3A_30, %mul3A_263 : i32
    %add3A_265 = arith.constant 21 : i32
    %add3A_266 = arith.addi %mul3A_264, %add3A_265 : i32
    %mul3A_267 = arith.constant 1024 : i32
    %mul3A_268 = arith.muli %add3A_266, %mul3A_267 : i32
    %add3A_269 = arith.addi %mul3A_268, %mul3A_32 : i32
    %dma_start3A_270 = arith.constant 0 : i32
    %dma_start3A_271 = tpu.memref_slice %arg3[%add3A_269, %dma_start3A_270] : memref<131072x512xf32, #tpu.memory_space<hbm>> -> memref<128x512xf32, #tpu.memory_space<hbm>>
    %dma_start3A_272 = arith.constant 0 : i32
    %dma_start3A_273 = tpu.memref_slice %arg3[%add3A_269, %dma_start3A_272] : memref<131072x512xf32, #tpu.memory_space<hbm>> -> memref<128x512xf32, #tpu.memory_space<hbm>>
    tpu.enqueue_dma source(%arg4 : memref<128x512xf32, #tpu.memory_space<vmem>>) target(%dma_start3A_273 : memref<128x512xf32, #tpu.memory_space<hbm>>) target_semaphore(%arg5 : memref<!tpu.dma_semaphore, #tpu.memory_space<semaphore_mem>>)
    %mul3A_274 = arith.constant 32 : i32
    %mul3A_275 = arith.muli %select_n3A_30, %mul3A_274 : i32
    %add3A_276 = arith.constant 22 : i32
    %add3A_277 = arith.addi %mul3A_275, %add3A_276 : i32
    %mul3A_278 = arith.constant 1024 : i32
    %mul3A_279 = arith.muli %add3A_277, %mul3A_278 : i32
    %add3A_280 = arith.addi %mul3A_279, %mul3A_32 : i32
    %dma_start3A_281 = arith.constant 0 : i32
    %dma_start3A_282 = tpu.memref_slice %arg3[%add3A_280, %dma_start3A_281] : memref<131072x512xf32, #tpu.memory_space<hbm>> -> memref<128x512xf32, #tpu.memory_space<hbm>>
    %dma_start3A_283 = arith.constant 0 : i32
    %dma_start3A_284 = tpu.memref_slice %arg3[%add3A_280, %dma_start3A_283] : memref<131072x512xf32, #tpu.memory_space<hbm>> -> memref<128x512xf32, #tpu.memory_space<hbm>>
    tpu.enqueue_dma source(%arg4 : memref<128x512xf32, #tpu.memory_space<vmem>>) target(%dma_start3A_284 : memref<128x512xf32, #tpu.memory_space<hbm>>) target_semaphore(%arg5 : memref<!tpu.dma_semaphore, #tpu.memory_space<semaphore_mem>>)
    %mul3A_285 = arith.constant 32 : i32
    %mul3A_286 = arith.muli %select_n3A_30, %mul3A_285 : i32
    %add3A_287 = arith.constant 23 : i32
    %add3A_288 = arith.addi %mul3A_286, %add3A_287 : i32
    %mul3A_289 = arith.constant 1024 : i32
    %mul3A_290 = arith.muli %add3A_288, %mul3A_289 : i32
    %add3A_291 = arith.addi %mul3A_290, %mul3A_32 : i32
    %dma_start3A_292 = arith.constant 0 : i32
    %dma_start3A_293 = tpu.memref_slice %arg3[%add3A_291, %dma_start3A_292] : memref<131072x512xf32, #tpu.memory_space<hbm>> -> memref<128x512xf32, #tpu.memory_space<hbm>>
    %dma_start3A_294 = arith.constant 0 : i32
    %dma_start3A_295 = tpu.memref_slice %arg3[%add3A_291, %dma_start3A_294] : memref<131072x512xf32, #tpu.memory_space<hbm>> -> memref<128x512xf32, #tpu.memory_space<hbm>>
    tpu.enqueue_dma source(%arg4 : memref<128x512xf32, #tpu.memory_space<vmem>>) target(%dma_start3A_295 : memref<128x512xf32, #tpu.memory_space<hbm>>) target_semaphore(%arg5 : memref<!tpu.dma_semaphore, #tpu.memory_space<semaphore_mem>>)
    %mul3A_296 = arith.constant 32 : i32
    %mul3A_297 = arith.muli %select_n3A_30, %mul3A_296 : i32
    %add3A_298 = arith.constant 24 : i32
    %add3A_299 = arith.addi %mul3A_297, %add3A_298 : i32
    %mul3A_300 = arith.constant 1024 : i32
    %mul3A_301 = arith.muli %add3A_299, %mul3A_300 : i32
    %add3A_302 = arith.addi %mul3A_301, %mul3A_32 : i32
    %dma_start3A_303 = arith.constant 0 : i32
    %dma_start3A_304 = tpu.memref_slice %arg3[%add3A_302, %dma_start3A_303] : memref<131072x512xf32, #tpu.memory_space<hbm>> -> memref<128x512xf32, #tpu.memory_space<hbm>>
    %dma_start3A_305 = arith.constant 0 : i32
    %dma_start3A_306 = tpu.memref_slice %arg3[%add3A_302, %dma_start3A_305] : memref<131072x512xf32, #tpu.memory_space<hbm>> -> memref<128x512xf32, #tpu.memory_space<hbm>>
    tpu.enqueue_dma source(%arg4 : memref<128x512xf32, #tpu.memory_space<vmem>>) target(%dma_start3A_306 : memref<128x512xf32, #tpu.memory_space<hbm>>) target_semaphore(%arg5 : memref<!tpu.dma_semaphore, #tpu.memory_space<semaphore_mem>>)
    %mul3A_307 = arith.constant 32 : i32
    %mul3A_308 = arith.muli %select_n3A_30, %mul3A_307 : i32
    %add3A_309 = arith.constant 25 : i32
    %add3A_310 = arith.addi %mul3A_308, %add3A_309 : i32
    %mul3A_311 = arith.constant 1024 : i32
    %mul3A_312 = arith.muli %add3A_310, %mul3A_311 : i32
    %add3A_313 = arith.addi %mul3A_312, %mul3A_32 : i32
    %dma_start3A_314 = arith.constant 0 : i32
    %dma_start3A_315 = tpu.memref_slice %arg3[%add3A_313, %dma_start3A_314] : memref<131072x512xf32, #tpu.memory_space<hbm>> -> memref<128x512xf32, #tpu.memory_space<hbm>>
    %dma_start3A_316 = arith.constant 0 : i32
    %dma_start3A_317 = tpu.memref_slice %arg3[%add3A_313, %dma_start3A_316] : memref<131072x512xf32, #tpu.memory_space<hbm>> -> memref<128x512xf32, #tpu.memory_space<hbm>>
    tpu.enqueue_dma source(%arg4 : memref<128x512xf32, #tpu.memory_space<vmem>>) target(%dma_start3A_317 : memref<128x512xf32, #tpu.memory_space<hbm>>) target_semaphore(%arg5 : memref<!tpu.dma_semaphore, #tpu.memory_space<semaphore_mem>>)
    %mul3A_318 = arith.constant 32 : i32
    %mul3A_319 = arith.muli %select_n3A_30, %mul3A_318 : i32
    %add3A_320 = arith.constant 26 : i32
    %add3A_321 = arith.addi %mul3A_319, %add3A_320 : i32
    %mul3A_322 = arith.constant 1024 : i32
    %mul3A_323 = arith.muli %add3A_321, %mul3A_322 : i32
    %add3A_324 = arith.addi %mul3A_323, %mul3A_32 : i32
    %dma_start3A_325 = arith.constant 0 : i32
    %dma_start3A_326 = tpu.memref_slice %arg3[%add3A_324, %dma_start3A_325] : memref<131072x512xf32, #tpu.memory_space<hbm>> -> memref<128x512xf32, #tpu.memory_space<hbm>>
    %dma_start3A_327 = arith.constant 0 : i32
    %dma_start3A_328 = tpu.memref_slice %arg3[%add3A_324, %dma_start3A_327] : memref<131072x512xf32, #tpu.memory_space<hbm>> -> memref<128x512xf32, #tpu.memory_space<hbm>>
    tpu.enqueue_dma source(%arg4 : memref<128x512xf32, #tpu.memory_space<vmem>>) target(%dma_start3A_328 : memref<128x512xf32, #tpu.memory_space<hbm>>) target_semaphore(%arg5 : memref<!tpu.dma_semaphore, #tpu.memory_space<semaphore_mem>>)
    %mul3A_329 = arith.constant 32 : i32
    %mul3A_330 = arith.muli %select_n3A_30, %mul3A_329 : i32
    %add3A_331 = arith.constant 27 : i32
    %add3A_332 = arith.addi %mul3A_330, %add3A_331 : i32
    %mul3A_333 = arith.constant 1024 : i32
    %mul3A_334 = arith.muli %add3A_332, %mul3A_333 : i32
    %add3A_335 = arith.addi %mul3A_334, %mul3A_32 : i32
    %dma_start3A_336 = arith.constant 0 : i32
    %dma_start3A_337 = tpu.memref_slice %arg3[%add3A_335, %dma_start3A_336] : memref<131072x512xf32, #tpu.memory_space<hbm>> -> memref<128x512xf32, #tpu.memory_space<hbm>>
    %dma_start3A_338 = arith.constant 0 : i32
    %dma_start3A_339 = tpu.memref_slice %arg3[%add3A_335, %dma_start3A_338] : memref<131072x512xf32, #tpu.memory_space<hbm>> -> memref<128x512xf32, #tpu.memory_space<hbm>>
    tpu.enqueue_dma source(%arg4 : memref<128x512xf32, #tpu.memory_space<vmem>>) target(%dma_start3A_339 : memref<128x512xf32, #tpu.memory_space<hbm>>) target_semaphore(%arg5 : memref<!tpu.dma_semaphore, #tpu.memory_space<semaphore_mem>>)
    %mul3A_340 = arith.constant 32 : i32
    %mul3A_341 = arith.muli %select_n3A_30, %mul3A_340 : i32
    %add3A_342 = arith.constant 28 : i32
    %add3A_343 = arith.addi %mul3A_341, %add3A_342 : i32
    %mul3A_344 = arith.constant 1024 : i32
    %mul3A_345 = arith.muli %add3A_343, %mul3A_344 : i32
    %add3A_346 = arith.addi %mul3A_345, %mul3A_32 : i32
    %dma_start3A_347 = arith.constant 0 : i32
    %dma_start3A_348 = tpu.memref_slice %arg3[%add3A_346, %dma_start3A_347] : memref<131072x512xf32, #tpu.memory_space<hbm>> -> memref<128x512xf32, #tpu.memory_space<hbm>>
    %dma_start3A_349 = arith.constant 0 : i32
    %dma_start3A_350 = tpu.memref_slice %arg3[%add3A_346, %dma_start3A_349] : memref<131072x512xf32, #tpu.memory_space<hbm>> -> memref<128x512xf32, #tpu.memory_space<hbm>>
    tpu.enqueue_dma source(%arg4 : memref<128x512xf32, #tpu.memory_space<vmem>>) target(%dma_start3A_350 : memref<128x512xf32, #tpu.memory_space<hbm>>) target_semaphore(%arg5 : memref<!tpu.dma_semaphore, #tpu.memory_space<semaphore_mem>>)
    %mul3A_351 = arith.constant 32 : i32
    %mul3A_352 = arith.muli %select_n3A_30, %mul3A_351 : i32
    %add3A_353 = arith.constant 29 : i32
    %add3A_354 = arith.addi %mul3A_352, %add3A_353 : i32
    %mul3A_355 = arith.constant 1024 : i32
    %mul3A_356 = arith.muli %add3A_354, %mul3A_355 : i32
    %add3A_357 = arith.addi %mul3A_356, %mul3A_32 : i32
    %dma_start3A_358 = arith.constant 0 : i32
    %dma_start3A_359 = tpu.memref_slice %arg3[%add3A_357, %dma_start3A_358] : memref<131072x512xf32, #tpu.memory_space<hbm>> -> memref<128x512xf32, #tpu.memory_space<hbm>>
    %dma_start3A_360 = arith.constant 0 : i32
    %dma_start3A_361 = tpu.memref_slice %arg3[%add3A_357, %dma_start3A_360] : memref<131072x512xf32, #tpu.memory_space<hbm>> -> memref<128x512xf32, #tpu.memory_space<hbm>>
    tpu.enqueue_dma source(%arg4 : memref<128x512xf32, #tpu.memory_space<vmem>>) target(%dma_start3A_361 : memref<128x512xf32, #tpu.memory_space<hbm>>) target_semaphore(%arg5 : memref<!tpu.dma_semaphore, #tpu.memory_space<semaphore_mem>>)
    %mul3A_362 = arith.constant 32 : i32
    %mul3A_363 = arith.muli %select_n3A_30, %mul3A_362 : i32
    %add3A_364 = arith.constant 30 : i32
    %add3A_365 = arith.addi %mul3A_363, %add3A_364 : i32
    %mul3A_366 = arith.constant 1024 : i32
    %mul3A_367 = arith.muli %add3A_365, %mul3A_366 : i32
    %add3A_368 = arith.addi %mul3A_367, %mul3A_32 : i32
    %dma_start3A_369 = arith.constant 0 : i32
    %dma_start3A_370 = tpu.memref_slice %arg3[%add3A_368, %dma_start3A_369] : memref<131072x512xf32, #tpu.memory_space<hbm>> -> memref<128x512xf32, #tpu.memory_space<hbm>>
    %dma_start3A_371 = arith.constant 0 : i32
    %dma_start3A_372 = tpu.memref_slice %arg3[%add3A_368, %dma_start3A_371] : memref<131072x512xf32, #tpu.memory_space<hbm>> -> memref<128x512xf32, #tpu.memory_space<hbm>>
    tpu.enqueue_dma source(%arg4 : memref<128x512xf32, #tpu.memory_space<vmem>>) target(%dma_start3A_372 : memref<128x512xf32, #tpu.memory_space<hbm>>) target_semaphore(%arg5 : memref<!tpu.dma_semaphore, #tpu.memory_space<semaphore_mem>>)
    %mul3A_373 = arith.constant 32 : i32
    %mul3A_374 = arith.muli %select_n3A_30, %mul3A_373 : i32
    %add3A_375 = arith.constant 31 : i32
    %add3A_376 = arith.addi %mul3A_374, %add3A_375 : i32
    %mul3A_377 = arith.constant 1024 : i32
    %mul3A_378 = arith.muli %add3A_376, %mul3A_377 : i32
    %add3A_379 = arith.addi %mul3A_378, %mul3A_32 : i32
    %dma_start3A_380 = arith.constant 0 : i32
    %dma_start3A_381 = tpu.memref_slice %arg3[%add3A_379, %dma_start3A_380] : memref<131072x512xf32, #tpu.memory_space<hbm>> -> memref<128x512xf32, #tpu.memory_space<hbm>>
    %dma_start3A_382 = arith.constant 0 : i32
    %dma_start3A_383 = tpu.memref_slice %arg3[%add3A_379, %dma_start3A_382] : memref<131072x512xf32, #tpu.memory_space<hbm>> -> memref<128x512xf32, #tpu.memory_space<hbm>>
    tpu.enqueue_dma source(%arg4 : memref<128x512xf32, #tpu.memory_space<vmem>>) target(%dma_start3A_383 : memref<128x512xf32, #tpu.memory_space<hbm>>) target_semaphore(%arg5 : memref<!tpu.dma_semaphore, #tpu.memory_space<semaphore_mem>>)
    %dma_wait3A = arith.constant 0 : i32
    %dma_wait3A_384 = tpu.memref_slice %arg3[%add3A_39, %dma_wait3A] : memref<131072x512xf32, #tpu.memory_space<hbm>> -> memref<128x512xf32, #tpu.memory_space<hbm>>
    %dma_wait3A_385 = arith.constant 0 : i32
    %dma_wait3A_386 = tpu.memref_slice %arg3[%add3A_39, %dma_wait3A_385] : memref<131072x512xf32, #tpu.memory_space<hbm>> -> memref<128x512xf32, #tpu.memory_space<hbm>>
    tpu.wait_dma2 semaphore(%arg5 : memref<!tpu.dma_semaphore, #tpu.memory_space<semaphore_mem>>) src(%arg4 : memref<128x512xf32, #tpu.memory_space<vmem>>) dst(%dma_wait3A_386 : memref<128x512xf32, #tpu.memory_space<hbm>>)
    %dma_wait3A_387 = arith.constant 0 : i32
    %dma_wait3A_388 = tpu.memref_slice %arg3[%add3A_49, %dma_wait3A_387] : memref<131072x512xf32, #tpu.memory_space<hbm>> -> memref<128x512xf32, #tpu.memory_space<hbm>>
    %dma_wait3A_389 = arith.constant 0 : i32
    %dma_wait3A_390 = tpu.memref_slice %arg3[%add3A_49, %dma_wait3A_389] : memref<131072x512xf32, #tpu.memory_space<hbm>> -> memref<128x512xf32, #tpu.memory_space<hbm>>
    tpu.wait_dma2 semaphore(%arg5 : memref<!tpu.dma_semaphore, #tpu.memory_space<semaphore_mem>>) src(%arg4 : memref<128x512xf32, #tpu.memory_space<vmem>>) dst(%dma_wait3A_390 : memref<128x512xf32, #tpu.memory_space<hbm>>)
    %dma_wait3A_391 = arith.constant 0 : i32
    %dma_wait3A_392 = tpu.memref_slice %arg3[%add3A_60, %dma_wait3A_391] : memref<131072x512xf32, #tpu.memory_space<hbm>> -> memref<128x512xf32, #tpu.memory_space<hbm>>
    %dma_wait3A_393 = arith.constant 0 : i32
    %dma_wait3A_394 = tpu.memref_slice %arg3[%add3A_60, %dma_wait3A_393] : memref<131072x512xf32, #tpu.memory_space<hbm>> -> memref<128x512xf32, #tpu.memory_space<hbm>>
    tpu.wait_dma2 semaphore(%arg5 : memref<!tpu.dma_semaphore, #tpu.memory_space<semaphore_mem>>) src(%arg4 : memref<128x512xf32, #tpu.memory_space<vmem>>) dst(%dma_wait3A_394 : memref<128x512xf32, #tpu.memory_space<hbm>>)
    %dma_wait3A_395 = arith.constant 0 : i32
    %dma_wait3A_396 = tpu.memref_slice %arg3[%add3A_71, %dma_wait3A_395] : memref<131072x512xf32, #tpu.memory_space<hbm>> -> memref<128x512xf32, #tpu.memory_space<hbm>>
    %dma_wait3A_397 = arith.constant 0 : i32
    %dma_wait3A_398 = tpu.memref_slice %arg3[%add3A_71, %dma_wait3A_397] : memref<131072x512xf32, #tpu.memory_space<hbm>> -> memref<128x512xf32, #tpu.memory_space<hbm>>
    tpu.wait_dma2 semaphore(%arg5 : memref<!tpu.dma_semaphore, #tpu.memory_space<semaphore_mem>>) src(%arg4 : memref<128x512xf32, #tpu.memory_space<vmem>>) dst(%dma_wait3A_398 : memref<128x512xf32, #tpu.memory_space<hbm>>)
    %dma_wait3A_399 = arith.constant 0 : i32
    %dma_wait3A_400 = tpu.memref_slice %arg3[%add3A_82, %dma_wait3A_399] : memref<131072x512xf32, #tpu.memory_space<hbm>> -> memref<128x512xf32, #tpu.memory_space<hbm>>
    %dma_wait3A_401 = arith.constant 0 : i32
    %dma_wait3A_402 = tpu.memref_slice %arg3[%add3A_82, %dma_wait3A_401] : memref<131072x512xf32, #tpu.memory_space<hbm>> -> memref<128x512xf32, #tpu.memory_space<hbm>>
    tpu.wait_dma2 semaphore(%arg5 : memref<!tpu.dma_semaphore, #tpu.memory_space<semaphore_mem>>) src(%arg4 : memref<128x512xf32, #tpu.memory_space<vmem>>) dst(%dma_wait3A_402 : memref<128x512xf32, #tpu.memory_space<hbm>>)
    %dma_wait3A_403 = arith.constant 0 : i32
    %dma_wait3A_404 = tpu.memref_slice %arg3[%add3A_93, %dma_wait3A_403] : memref<131072x512xf32, #tpu.memory_space<hbm>> -> memref<128x512xf32, #tpu.memory_space<hbm>>
    %dma_wait3A_405 = arith.constant 0 : i32
    %dma_wait3A_406 = tpu.memref_slice %arg3[%add3A_93, %dma_wait3A_405] : memref<131072x512xf32, #tpu.memory_space<hbm>> -> memref<128x512xf32, #tpu.memory_space<hbm>>
    tpu.wait_dma2 semaphore(%arg5 : memref<!tpu.dma_semaphore, #tpu.memory_space<semaphore_mem>>) src(%arg4 : memref<128x512xf32, #tpu.memory_space<vmem>>) dst(%dma_wait3A_406 : memref<128x512xf32, #tpu.memory_space<hbm>>)
    %dma_wait3A_407 = arith.constant 0 : i32
    %dma_wait3A_408 = tpu.memref_slice %arg3[%add3A_104, %dma_wait3A_407] : memref<131072x512xf32, #tpu.memory_space<hbm>> -> memref<128x512xf32, #tpu.memory_space<hbm>>
    %dma_wait3A_409 = arith.constant 0 : i32
    %dma_wait3A_410 = tpu.memref_slice %arg3[%add3A_104, %dma_wait3A_409] : memref<131072x512xf32, #tpu.memory_space<hbm>> -> memref<128x512xf32, #tpu.memory_space<hbm>>
    tpu.wait_dma2 semaphore(%arg5 : memref<!tpu.dma_semaphore, #tpu.memory_space<semaphore_mem>>) src(%arg4 : memref<128x512xf32, #tpu.memory_space<vmem>>) dst(%dma_wait3A_410 : memref<128x512xf32, #tpu.memory_space<hbm>>)
    %dma_wait3A_411 = arith.constant 0 : i32
    %dma_wait3A_412 = tpu.memref_slice %arg3[%add3A_115, %dma_wait3A_411] : memref<131072x512xf32, #tpu.memory_space<hbm>> -> memref<128x512xf32, #tpu.memory_space<hbm>>
    %dma_wait3A_413 = arith.constant 0 : i32
    %dma_wait3A_414 = tpu.memref_slice %arg3[%add3A_115, %dma_wait3A_413] : memref<131072x512xf32, #tpu.memory_space<hbm>> -> memref<128x512xf32, #tpu.memory_space<hbm>>
    tpu.wait_dma2 semaphore(%arg5 : memref<!tpu.dma_semaphore, #tpu.memory_space<semaphore_mem>>) src(%arg4 : memref<128x512xf32, #tpu.memory_space<vmem>>) dst(%dma_wait3A_414 : memref<128x512xf32, #tpu.memory_space<hbm>>)
    %dma_wait3A_415 = arith.constant 0 : i32
    %dma_wait3A_416 = tpu.memref_slice %arg3[%add3A_126, %dma_wait3A_415] : memref<131072x512xf32, #tpu.memory_space<hbm>> -> memref<128x512xf32, #tpu.memory_space<hbm>>
    %dma_wait3A_417 = arith.constant 0 : i32
    %dma_wait3A_418 = tpu.memref_slice %arg3[%add3A_126, %dma_wait3A_417] : memref<131072x512xf32, #tpu.memory_space<hbm>> -> memref<128x512xf32, #tpu.memory_space<hbm>>
    tpu.wait_dma2 semaphore(%arg5 : memref<!tpu.dma_semaphore, #tpu.memory_space<semaphore_mem>>) src(%arg4 : memref<128x512xf32, #tpu.memory_space<vmem>>) dst(%dma_wait3A_418 : memref<128x512xf32, #tpu.memory_space<hbm>>)
    %dma_wait3A_419 = arith.constant 0 : i32
    %dma_wait3A_420 = tpu.memref_slice %arg3[%add3A_137, %dma_wait3A_419] : memref<131072x512xf32, #tpu.memory_space<hbm>> -> memref<128x512xf32, #tpu.memory_space<hbm>>
    %dma_wait3A_421 = arith.constant 0 : i32
    %dma_wait3A_422 = tpu.memref_slice %arg3[%add3A_137, %dma_wait3A_421] : memref<131072x512xf32, #tpu.memory_space<hbm>> -> memref<128x512xf32, #tpu.memory_space<hbm>>
    tpu.wait_dma2 semaphore(%arg5 : memref<!tpu.dma_semaphore, #tpu.memory_space<semaphore_mem>>) src(%arg4 : memref<128x512xf32, #tpu.memory_space<vmem>>) dst(%dma_wait3A_422 : memref<128x512xf32, #tpu.memory_space<hbm>>)
    %dma_wait3A_423 = arith.constant 0 : i32
    %dma_wait3A_424 = tpu.memref_slice %arg3[%add3A_148, %dma_wait3A_423] : memref<131072x512xf32, #tpu.memory_space<hbm>> -> memref<128x512xf32, #tpu.memory_space<hbm>>
    %dma_wait3A_425 = arith.constant 0 : i32
    %dma_wait3A_426 = tpu.memref_slice %arg3[%add3A_148, %dma_wait3A_425] : memref<131072x512xf32, #tpu.memory_space<hbm>> -> memref<128x512xf32, #tpu.memory_space<hbm>>
    tpu.wait_dma2 semaphore(%arg5 : memref<!tpu.dma_semaphore, #tpu.memory_space<semaphore_mem>>) src(%arg4 : memref<128x512xf32, #tpu.memory_space<vmem>>) dst(%dma_wait3A_426 : memref<128x512xf32, #tpu.memory_space<hbm>>)
    %dma_wait3A_427 = arith.constant 0 : i32
    %dma_wait3A_428 = tpu.memref_slice %arg3[%add3A_159, %dma_wait3A_427] : memref<131072x512xf32, #tpu.memory_space<hbm>> -> memref<128x512xf32, #tpu.memory_space<hbm>>
    %dma_wait3A_429 = arith.constant 0 : i32
    %dma_wait3A_430 = tpu.memref_slice %arg3[%add3A_159, %dma_wait3A_429] : memref<131072x512xf32, #tpu.memory_space<hbm>> -> memref<128x512xf32, #tpu.memory_space<hbm>>
    tpu.wait_dma2 semaphore(%arg5 : memref<!tpu.dma_semaphore, #tpu.memory_space<semaphore_mem>>) src(%arg4 : memref<128x512xf32, #tpu.memory_space<vmem>>) dst(%dma_wait3A_430 : memref<128x512xf32, #tpu.memory_space<hbm>>)
    %dma_wait3A_431 = arith.constant 0 : i32
    %dma_wait3A_432 = tpu.memref_slice %arg3[%add3A_170, %dma_wait3A_431] : memref<131072x512xf32, #tpu.memory_space<hbm>> -> memref<128x512xf32, #tpu.memory_space<hbm>>
    %dma_wait3A_433 = arith.constant 0 : i32
    %dma_wait3A_434 = tpu.memref_slice %arg3[%add3A_170, %dma_wait3A_433] : memref<131072x512xf32, #tpu.memory_space<hbm>> -> memref<128x512xf32, #tpu.memory_space<hbm>>
    tpu.wait_dma2 semaphore(%arg5 : memref<!tpu.dma_semaphore, #tpu.memory_space<semaphore_mem>>) src(%arg4 : memref<128x512xf32, #tpu.memory_space<vmem>>) dst(%dma_wait3A_434 : memref<128x512xf32, #tpu.memory_space<hbm>>)
    %dma_wait3A_435 = arith.constant 0 : i32
    %dma_wait3A_436 = tpu.memref_slice %arg3[%add3A_181, %dma_wait3A_435] : memref<131072x512xf32, #tpu.memory_space<hbm>> -> memref<128x512xf32, #tpu.memory_space<hbm>>
    %dma_wait3A_437 = arith.constant 0 : i32
    %dma_wait3A_438 = tpu.memref_slice %arg3[%add3A_181, %dma_wait3A_437] : memref<131072x512xf32, #tpu.memory_space<hbm>> -> memref<128x512xf32, #tpu.memory_space<hbm>>
    tpu.wait_dma2 semaphore(%arg5 : memref<!tpu.dma_semaphore, #tpu.memory_space<semaphore_mem>>) src(%arg4 : memref<128x512xf32, #tpu.memory_space<vmem>>) dst(%dma_wait3A_438 : memref<128x512xf32, #tpu.memory_space<hbm>>)
    %dma_wait3A_439 = arith.constant 0 : i32
    %dma_wait3A_440 = tpu.memref_slice %arg3[%add3A_192, %dma_wait3A_439] : memref<131072x512xf32, #tpu.memory_space<hbm>> -> memref<128x512xf32, #tpu.memory_space<hbm>>
    %dma_wait3A_441 = arith.constant 0 : i32
    %dma_wait3A_442 = tpu.memref_slice %arg3[%add3A_192, %dma_wait3A_441] : memref<131072x512xf32, #tpu.memory_space<hbm>> -> memref<128x512xf32, #tpu.memory_space<hbm>>
    tpu.wait_dma2 semaphore(%arg5 : memref<!tpu.dma_semaphore, #tpu.memory_space<semaphore_mem>>) src(%arg4 : memref<128x512xf32, #tpu.memory_space<vmem>>) dst(%dma_wait3A_442 : memref<128x512xf32, #tpu.memory_space<hbm>>)
    %dma_wait3A_443 = arith.constant 0 : i32
    %dma_wait3A_444 = tpu.memref_slice %arg3[%add3A_203, %dma_wait3A_443] : memref<131072x512xf32, #tpu.memory_space<hbm>> -> memref<128x512xf32, #tpu.memory_space<hbm>>
    %dma_wait3A_445 = arith.constant 0 : i32
    %dma_wait3A_446 = tpu.memref_slice %arg3[%add3A_203, %dma_wait3A_445] : memref<131072x512xf32, #tpu.memory_space<hbm>> -> memref<128x512xf32, #tpu.memory_space<hbm>>
    tpu.wait_dma2 semaphore(%arg5 : memref<!tpu.dma_semaphore, #tpu.memory_space<semaphore_mem>>) src(%arg4 : memref<128x512xf32, #tpu.memory_space<vmem>>) dst(%dma_wait3A_446 : memref<128x512xf32, #tpu.memory_space<hbm>>)
    %dma_wait3A_447 = arith.constant 0 : i32
    %dma_wait3A_448 = tpu.memref_slice %arg3[%add3A_214, %dma_wait3A_447] : memref<131072x512xf32, #tpu.memory_space<hbm>> -> memref<128x512xf32, #tpu.memory_space<hbm>>
    %dma_wait3A_449 = arith.constant 0 : i32
    %dma_wait3A_450 = tpu.memref_slice %arg3[%add3A_214, %dma_wait3A_449] : memref<131072x512xf32, #tpu.memory_space<hbm>> -> memref<128x512xf32, #tpu.memory_space<hbm>>
    tpu.wait_dma2 semaphore(%arg5 : memref<!tpu.dma_semaphore, #tpu.memory_space<semaphore_mem>>) src(%arg4 : memref<128x512xf32, #tpu.memory_space<vmem>>) dst(%dma_wait3A_450 : memref<128x512xf32, #tpu.memory_space<hbm>>)
    %dma_wait3A_451 = arith.constant 0 : i32
    %dma_wait3A_452 = tpu.memref_slice %arg3[%add3A_225, %dma_wait3A_451] : memref<131072x512xf32, #tpu.memory_space<hbm>> -> memref<128x512xf32, #tpu.memory_space<hbm>>
    %dma_wait3A_453 = arith.constant 0 : i32
    %dma_wait3A_454 = tpu.memref_slice %arg3[%add3A_225, %dma_wait3A_453] : memref<131072x512xf32, #tpu.memory_space<hbm>> -> memref<128x512xf32, #tpu.memory_space<hbm>>
    tpu.wait_dma2 semaphore(%arg5 : memref<!tpu.dma_semaphore, #tpu.memory_space<semaphore_mem>>) src(%arg4 : memref<128x512xf32, #tpu.memory_space<vmem>>) dst(%dma_wait3A_454 : memref<128x512xf32, #tpu.memory_space<hbm>>)
    %dma_wait3A_455 = arith.constant 0 : i32
    %dma_wait3A_456 = tpu.memref_slice %arg3[%add3A_236, %dma_wait3A_455] : memref<131072x512xf32, #tpu.memory_space<hbm>> -> memref<128x512xf32, #tpu.memory_space<hbm>>
    %dma_wait3A_457 = arith.constant 0 : i32
    %dma_wait3A_458 = tpu.memref_slice %arg3[%add3A_236, %dma_wait3A_457] : memref<131072x512xf32, #tpu.memory_space<hbm>> -> memref<128x512xf32, #tpu.memory_space<hbm>>
    tpu.wait_dma2 semaphore(%arg5 : memref<!tpu.dma_semaphore, #tpu.memory_space<semaphore_mem>>) src(%arg4 : memref<128x512xf32, #tpu.memory_space<vmem>>) dst(%dma_wait3A_458 : memref<128x512xf32, #tpu.memory_space<hbm>>)
    %dma_wait3A_459 = arith.constant 0 : i32
    %dma_wait3A_460 = tpu.memref_slice %arg3[%add3A_247, %dma_wait3A_459] : memref<131072x512xf32, #tpu.memory_space<hbm>> -> memref<128x512xf32, #tpu.memory_space<hbm>>
    %dma_wait3A_461 = arith.constant 0 : i32
    %dma_wait3A_462 = tpu.memref_slice %arg3[%add3A_247, %dma_wait3A_461] : memref<131072x512xf32, #tpu.memory_space<hbm>> -> memref<128x512xf32, #tpu.memory_space<hbm>>
    tpu.wait_dma2 semaphore(%arg5 : memref<!tpu.dma_semaphore, #tpu.memory_space<semaphore_mem>>) src(%arg4 : memref<128x512xf32, #tpu.memory_space<vmem>>) dst(%dma_wait3A_462 : memref<128x512xf32, #tpu.memory_space<hbm>>)
    %dma_wait3A_463 = arith.constant 0 : i32
    %dma_wait3A_464 = tpu.memref_slice %arg3[%add3A_258, %dma_wait3A_463] : memref<131072x512xf32, #tpu.memory_space<hbm>> -> memref<128x512xf32, #tpu.memory_space<hbm>>
    %dma_wait3A_465 = arith.constant 0 : i32
    %dma_wait3A_466 = tpu.memref_slice %arg3[%add3A_258, %dma_wait3A_465] : memref<131072x512xf32, #tpu.memory_space<hbm>> -> memref<128x512xf32, #tpu.memory_space<hbm>>
    tpu.wait_dma2 semaphore(%arg5 : memref<!tpu.dma_semaphore, #tpu.memory_space<semaphore_mem>>) src(%arg4 : memref<128x512xf32, #tpu.memory_space<vmem>>) dst(%dma_wait3A_466 : memref<128x512xf32, #tpu.memory_space<hbm>>)
    %dma_wait3A_467 = arith.constant 0 : i32
    %dma_wait3A_468 = tpu.memref_slice %arg3[%add3A_269, %dma_wait3A_467] : memref<131072x512xf32, #tpu.memory_space<hbm>> -> memref<128x512xf32, #tpu.memory_space<hbm>>
    %dma_wait3A_469 = arith.constant 0 : i32
    %dma_wait3A_470 = tpu.memref_slice %arg3[%add3A_269, %dma_wait3A_469] : memref<131072x512xf32, #tpu.memory_space<hbm>> -> memref<128x512xf32, #tpu.memory_space<hbm>>
    tpu.wait_dma2 semaphore(%arg5 : memref<!tpu.dma_semaphore, #tpu.memory_space<semaphore_mem>>) src(%arg4 : memref<128x512xf32, #tpu.memory_space<vmem>>) dst(%dma_wait3A_470 : memref<128x512xf32, #tpu.memory_space<hbm>>)
    %dma_wait3A_471 = arith.constant 0 : i32
    %dma_wait3A_472 = tpu.memref_slice %arg3[%add3A_280, %dma_wait3A_471] : memref<131072x512xf32, #tpu.memory_space<hbm>> -> memref<128x512xf32, #tpu.memory_space<hbm>>
    %dma_wait3A_473 = arith.constant 0 : i32
    %dma_wait3A_474 = tpu.memref_slice %arg3[%add3A_280, %dma_wait3A_473] : memref<131072x512xf32, #tpu.memory_space<hbm>> -> memref<128x512xf32, #tpu.memory_space<hbm>>
    tpu.wait_dma2 semaphore(%arg5 : memref<!tpu.dma_semaphore, #tpu.memory_space<semaphore_mem>>) src(%arg4 : memref<128x512xf32, #tpu.memory_space<vmem>>) dst(%dma_wait3A_474 : memref<128x512xf32, #tpu.memory_space<hbm>>)
    %dma_wait3A_475 = arith.constant 0 : i32
    %dma_wait3A_476 = tpu.memref_slice %arg3[%add3A_291, %dma_wait3A_475] : memref<131072x512xf32, #tpu.memory_space<hbm>> -> memref<128x512xf32, #tpu.memory_space<hbm>>
    %dma_wait3A_477 = arith.constant 0 : i32
    %dma_wait3A_478 = tpu.memref_slice %arg3[%add3A_291, %dma_wait3A_477] : memref<131072x512xf32, #tpu.memory_space<hbm>> -> memref<128x512xf32, #tpu.memory_space<hbm>>
    tpu.wait_dma2 semaphore(%arg5 : memref<!tpu.dma_semaphore, #tpu.memory_space<semaphore_mem>>) src(%arg4 : memref<128x512xf32, #tpu.memory_space<vmem>>) dst(%dma_wait3A_478 : memref<128x512xf32, #tpu.memory_space<hbm>>)
    %dma_wait3A_479 = arith.constant 0 : i32
    %dma_wait3A_480 = tpu.memref_slice %arg3[%add3A_302, %dma_wait3A_479] : memref<131072x512xf32, #tpu.memory_space<hbm>> -> memref<128x512xf32, #tpu.memory_space<hbm>>
    %dma_wait3A_481 = arith.constant 0 : i32
    %dma_wait3A_482 = tpu.memref_slice %arg3[%add3A_302, %dma_wait3A_481] : memref<131072x512xf32, #tpu.memory_space<hbm>> -> memref<128x512xf32, #tpu.memory_space<hbm>>
    tpu.wait_dma2 semaphore(%arg5 : memref<!tpu.dma_semaphore, #tpu.memory_space<semaphore_mem>>) src(%arg4 : memref<128x512xf32, #tpu.memory_space<vmem>>) dst(%dma_wait3A_482 : memref<128x512xf32, #tpu.memory_space<hbm>>)
    %dma_wait3A_483 = arith.constant 0 : i32
    %dma_wait3A_484 = tpu.memref_slice %arg3[%add3A_313, %dma_wait3A_483] : memref<131072x512xf32, #tpu.memory_space<hbm>> -> memref<128x512xf32, #tpu.memory_space<hbm>>
    %dma_wait3A_485 = arith.constant 0 : i32
    %dma_wait3A_486 = tpu.memref_slice %arg3[%add3A_313, %dma_wait3A_485] : memref<131072x512xf32, #tpu.memory_space<hbm>> -> memref<128x512xf32, #tpu.memory_space<hbm>>
    tpu.wait_dma2 semaphore(%arg5 : memref<!tpu.dma_semaphore, #tpu.memory_space<semaphore_mem>>) src(%arg4 : memref<128x512xf32, #tpu.memory_space<vmem>>) dst(%dma_wait3A_486 : memref<128x512xf32, #tpu.memory_space<hbm>>)
    %dma_wait3A_487 = arith.constant 0 : i32
    %dma_wait3A_488 = tpu.memref_slice %arg3[%add3A_324, %dma_wait3A_487] : memref<131072x512xf32, #tpu.memory_space<hbm>> -> memref<128x512xf32, #tpu.memory_space<hbm>>
    %dma_wait3A_489 = arith.constant 0 : i32
    %dma_wait3A_490 = tpu.memref_slice %arg3[%add3A_324, %dma_wait3A_489] : memref<131072x512xf32, #tpu.memory_space<hbm>> -> memref<128x512xf32, #tpu.memory_space<hbm>>
    tpu.wait_dma2 semaphore(%arg5 : memref<!tpu.dma_semaphore, #tpu.memory_space<semaphore_mem>>) src(%arg4 : memref<128x512xf32, #tpu.memory_space<vmem>>) dst(%dma_wait3A_490 : memref<128x512xf32, #tpu.memory_space<hbm>>)
    %dma_wait3A_491 = arith.constant 0 : i32
    %dma_wait3A_492 = tpu.memref_slice %arg3[%add3A_335, %dma_wait3A_491] : memref<131072x512xf32, #tpu.memory_space<hbm>> -> memref<128x512xf32, #tpu.memory_space<hbm>>
    %dma_wait3A_493 = arith.constant 0 : i32
    %dma_wait3A_494 = tpu.memref_slice %arg3[%add3A_335, %dma_wait3A_493] : memref<131072x512xf32, #tpu.memory_space<hbm>> -> memref<128x512xf32, #tpu.memory_space<hbm>>
    tpu.wait_dma2 semaphore(%arg5 : memref<!tpu.dma_semaphore, #tpu.memory_space<semaphore_mem>>) src(%arg4 : memref<128x512xf32, #tpu.memory_space<vmem>>) dst(%dma_wait3A_494 : memref<128x512xf32, #tpu.memory_space<hbm>>)
    %dma_wait3A_495 = arith.constant 0 : i32
    %dma_wait3A_496 = tpu.memref_slice %arg3[%add3A_346, %dma_wait3A_495] : memref<131072x512xf32, #tpu.memory_space<hbm>> -> memref<128x512xf32, #tpu.memory_space<hbm>>
    %dma_wait3A_497 = arith.constant 0 : i32
    %dma_wait3A_498 = tpu.memref_slice %arg3[%add3A_346, %dma_wait3A_497] : memref<131072x512xf32, #tpu.memory_space<hbm>> -> memref<128x512xf32, #tpu.memory_space<hbm>>
    tpu.wait_dma2 semaphore(%arg5 : memref<!tpu.dma_semaphore, #tpu.memory_space<semaphore_mem>>) src(%arg4 : memref<128x512xf32, #tpu.memory_space<vmem>>) dst(%dma_wait3A_498 : memref<128x512xf32, #tpu.memory_space<hbm>>)
    %dma_wait3A_499 = arith.constant 0 : i32
    %dma_wait3A_500 = tpu.memref_slice %arg3[%add3A_357, %dma_wait3A_499] : memref<131072x512xf32, #tpu.memory_space<hbm>> -> memref<128x512xf32, #tpu.memory_space<hbm>>
    %dma_wait3A_501 = arith.constant 0 : i32
    %dma_wait3A_502 = tpu.memref_slice %arg3[%add3A_357, %dma_wait3A_501] : memref<131072x512xf32, #tpu.memory_space<hbm>> -> memref<128x512xf32, #tpu.memory_space<hbm>>
    tpu.wait_dma2 semaphore(%arg5 : memref<!tpu.dma_semaphore, #tpu.memory_space<semaphore_mem>>) src(%arg4 : memref<128x512xf32, #tpu.memory_space<vmem>>) dst(%dma_wait3A_502 : memref<128x512xf32, #tpu.memory_space<hbm>>)
    %dma_wait3A_503 = arith.constant 0 : i32
    %dma_wait3A_504 = tpu.memref_slice %arg3[%add3A_368, %dma_wait3A_503] : memref<131072x512xf32, #tpu.memory_space<hbm>> -> memref<128x512xf32, #tpu.memory_space<hbm>>
    %dma_wait3A_505 = arith.constant 0 : i32
    %dma_wait3A_506 = tpu.memref_slice %arg3[%add3A_368, %dma_wait3A_505] : memref<131072x512xf32, #tpu.memory_space<hbm>> -> memref<128x512xf32, #tpu.memory_space<hbm>>
    tpu.wait_dma2 semaphore(%arg5 : memref<!tpu.dma_semaphore, #tpu.memory_space<semaphore_mem>>) src(%arg4 : memref<128x512xf32, #tpu.memory_space<vmem>>) dst(%dma_wait3A_506 : memref<128x512xf32, #tpu.memory_space<hbm>>)
    %dma_wait3A_507 = arith.constant 0 : i32
    %dma_wait3A_508 = tpu.memref_slice %arg3[%add3A_379, %dma_wait3A_507] : memref<131072x512xf32, #tpu.memory_space<hbm>> -> memref<128x512xf32, #tpu.memory_space<hbm>>
    %dma_wait3A_509 = arith.constant 0 : i32
    %dma_wait3A_510 = tpu.memref_slice %arg3[%add3A_379, %dma_wait3A_509] : memref<131072x512xf32, #tpu.memory_space<hbm>> -> memref<128x512xf32, #tpu.memory_space<hbm>>
    tpu.wait_dma2 semaphore(%arg5 : memref<!tpu.dma_semaphore, #tpu.memory_space<semaphore_mem>>) src(%arg4 : memref<128x512xf32, #tpu.memory_space<vmem>>) dst(%dma_wait3A_510 : memref<128x512xf32, #tpu.memory_space<hbm>>)
    return
  }
}

</mosaic_0001>

<sc_bundles>
// kernel: kernel.3.cloned.1.call-start
scs
__scs_entry_jumppad:
0x0: {  	(pc) =	sbr.rel $0x88, $3  }
0x1: {  	(tag) =	ssettag $0x0;
	lr =	simm.s32 $0x1  }
0x2: {  	[smem:$0x3FA0] =	sst lr;
	_ =	strace $0xD0000000  }
0x3: {  	_ = 	snop  }
0x4: {  	_ = 	snop  }
0x5: {  	_ = 	snop  }
0x6: {  	_ = 	snop  }
0x7: {  	_ = 	snop  }
__scs_overlays_trampoline_lowered:
0x8: {  	[smem:$0x3FAF] =	sst s0  }
0x9: {  	[smem:$0x3FB0] =	sst s1  }
0xa: {  	[smem:$0x3FB1] =	sst s2  }
0xb: {  	[smem:$0x3FB2] =	sst s3  }
0xc: {  	[smem:$0x3FB3] =	sst s4  }
0xd: {  	[smem:$0x3FB4] =	sst s5  }
0xe: {  	[smem:$0x3FB5] =	sst s6  }
0xf: {  	[smem:$0x3FB6] =	sst s7  }
0x10: {  	[smem:$0x3FB7] =	sst s8  }
0x11: {  	[smem:$0x3FB8] =	sst s9;
	s0 =	simm.s32 @!p0 $0x0  }
0x12: {  	s1 =	sld [smem:$0x3F9E];
	s0 =	simm.s32 @p0 $0x1  }
0x13: {  	[smem:$0x3FB9] =	sst s0;
	s0 =	simm.s32 @!p1 $0x0  }
0x14: {  	s2 =	sld [smem:$0x3F9D];
	s0 =	simm.s32 @p1 $0x1  }
0x15: {  	[smem:$0x3FBA] =	sst s0;
	s0 =	simm.s32 @!p2 $0x0  }
0x16: {  	s3 =	sld [smem:$0x3FDB];
	s0 =	simm.s32 @p2 $0x1  }
0x17: {  	s4 =	simm.s32 $0x1BF5;
	[smem:$0x3FBC] =	sst s0  }
0x18: {  	s0 =	sld [smem:$0x3F9F];
	_ =	swait.ge [sflag:s4], $0x0  }
0x19: {  	s7 =	sld [smem:$0x3FA0]  }
0x1a: {  	s8 =	sadd.s32 $0xFFFFE003, lr  }
0x1b: {  	s9 =	sadd.s32 $0xFFFFFEF7, lr;
	s5 =	simm.s32 $0xFFFFFFFF;
	p2 =	slt.u32 s8, $0xFFFFF086  }
0x1c: {  	p1 =	slt.u32 s9, $0xF7A;
	s5 =	simm.s32 @!p2 $0x0  }
0x1d: {  	s5 =	simm.s32 @p1 $0x1;
	p0 =	seq.s32 s7, s2  }
0x1e: {  	s7 =	smul.u32 @!p0 $0xF7A, s2;
	p2 =	seq.s32 @!p0 s5, $0x0  }
0x1f: {  	s9 =	smul.u32 $0xF7A, s1;
	s8 =	simm.s32 @!p0 $0x1BF5;
	p2 =	por !p2, p0  }
0x20: {  	[sflag:s8] =	ssyncset.s32 @!p0 $0xFFFFF086;
	s6 =	sadd.s32 @!p0 s3, s7;
	s7 =	simm.s32 @!p0 $0x108  }
0x21: {  	s3 =	sadd.s32 s3, s9;
	s6 =	sadd.s32 @!p0 $0x88, s6;
	s7 =	simm.s32 @p2 $0x1082  }
0x22: {  	[simem:s7], [sflag:s8] =	dma.local @!p0 [hbm:s6], $0xF7A  }
0x23: {  	s9 =	sor.u32 $0xD0000000, s2;
	s6 =	simm.s32 $0x108;
	_ =	swait.ge @!p0 [sflag:s8], $0x0  }
0x24: {  	s3 =	sadd.s32 $0x88, s3;
	s6 =	simm.s32 @!p1 $0x1082;
	[sflag:s4] =	ssyncset.s32 $0xFFFFF086  }
0x25: {  	[simem:s6], [sflag:s4] =	dma.local [hbm:s3], $0xF7A  }
0x26: {  	[smem:$0x3FA0] =	sst s1;
	(tag) =	ssettag s2;
	_ =	strace s9  }
0x27: {  	s1 =	sld [smem:$0x3FB0]  }
0x28: {  	s2 =	sld [smem:$0x3FB1]  }
0x29: {  	s4 =	sld [smem:$0x3FB3]  }
0x2a: {  	p0 =	seq.s32 s5, $0x0;
	s5 =	sld [smem:$0x3FB4]  }
0x2b: {  	s6 =	sld [smem:$0x3FB5]  }
0x2c: {  	s7 =	sld [smem:$0x3FB6]  }
0x2d: {  	s3 =	simm.s32 $0x108;
	s8 =	sld [smem:$0x3FB7]  }
0x2e: {  	s3 =	simm.s32 @!p0 $0x1082;
	s9 =	sld [smem:$0x3FB8]  }
0x2f: {  	lr =	sadd.s32 s0, s3;
	s0 =	sld [smem:$0x3FAF]  }
0x30: {  	s3 =	sld [smem:$0x3FB2]  }
0x31: {  	[smem:$0x3FBB] =	sst s10  }
0x32: {  	s10 =	sld [smem:$0x3FB9];
	_ =	sdelay $0x3  }
0x33: {  	p0 =	seq.s32 s10, $0x1;
	s10 =	sld [smem:$0x3FBB];
	_ =	sdelay $0x3  }
0x34: {  	[smem:$0x3FBB] =	sst s10  }
0x35: {  	s10 =	sld [smem:$0x3FBA];
	_ =	sdelay $0x3  }
0x36: {  	p1 =	seq.s32 s10, $0x1;
	s10 =	sld [smem:$0x3FBB];
	_ =	sdelay $0x3  }
0x37: {  	[smem:$0x3FBB] =	sst s10  }
0x38: {  	s10 =	sld [smem:$0x3FBC]  }
0x39: {  	_ = 	snop;
	(pc) =	sbr.ind lr, $3  }
0x3a: {  	_ = 	snop  }
0x3b: {  	_ = 	snop  }
0x3c: {  	p2 =	seq.s32 s10, $0x1;
	s10 =	sld [smem:$0x3FBB]  }
0x3d: {  	_ =	shalt  }
0x3e: {  	_ =	shalt  }
0x3f: {  	_ =	shalt  }
0x40: {  	_ =	shalt  }
0x41: {  	_ =	shalt  }
0x42: {  	_ =	shalt  }
0x43: {  	_ =	shalt  }
0x44: {  	_ =	shalt  }
0x45: {  	_ =	shalt  }
0x46: {  	_ =	shalt  }
0x47: {  	_ =	shalt  }
0x48: {  	_ =	shalt  }
0x49: {  	_ =	shalt  }
0x4a: {  	_ =	shalt  }
0x4b: {  	_ =	shalt  }
0x4c: {  	_ =	shalt  }
0x4d: {  	_ =	shalt  }
0x4e: {  	_ =	shalt  }
0x4f: {  	_ =	shalt  }
0x50: {  	_ =	shalt  }
0x51: {  	_ =	shalt  }
0x52: {  	_ =	shalt  }
0x53: {  	_ =	shalt  }
0x54: {  	_ =	shalt  }
0x55: {  	_ =	shalt  }
0x56: {  	_ =	shalt  }
0x57: {  	_ =	shalt  }
0x58: {  	_ =	shalt  }
0x59: {  	_ =	shalt  }
0x5a: {  	_ =	shalt  }
0x5b: {  	_ =	shalt  }
0x5c: {  	_ =	shalt  }
0x5d: {  	_ =	shalt  }
0x5e: {  	_ =	shalt  }
0x5f: {  	_ =	shalt  }
0x60: {  	_ =	shalt  }
0x61: {  	_ =	shalt  }
0x62: {  	_ =	shalt  }
0x63: {  	_ =	shalt  }
0x64: {  	_ =	shalt  }
0x65: {  	_ =	shalt  }
0x66: {  	_ =	shalt  }
0x67: {  	_ =	shalt  }
0x68: {  	_ =	shalt  }
0x69: {  	_ =	shalt  }
0x6a: {  	_ =	shalt  }
0x6b: {  	_ =	shalt  }
0x6c: {  	_ =	shalt  }
0x6d: {  	_ =	shalt  }
0x6e: {  	_ =	shalt  }
0x6f: {  	_ =	shalt  }
0x70: {  	_ =	shalt  }
0x71: {  	_ =	shalt  }
0x72: {  	_ =	shalt  }
0x73: {  	_ =	shalt  }
0x74: {  	_ =	shalt  }
0x75: {  	_ =	shalt  }
0x76: {  	_ =	shalt  }
0x77: {  	_ =	shalt  }
0x78: {  	_ =	shalt  }
0x79: {  	_ =	shalt  }
0x7a: {  	_ =	shalt  }
0x7b: {  	_ =	shalt  }
0x7c: {  	_ =	shalt  }
0x7d: {  	_ =	shalt  }
0x7e: {  	_ =	shalt  }
0x7f: {  	_ =	shalt  }
0x80: {  	_ =	shalt  }
0x81: {  	_ =	shalt  }
0x82: {  	_ =	shalt  }
0x83: {  	_ =	shalt  }
0x84: {  	_ =	shalt  }
0x85: {  	_ =	shalt  }
0x86: {  	_ =	shalt  }
0x87: {  	_ =	shalt  }
.Lfunc_end0:
.L_simem_size_0:
called_computation_lowered:
.L_overlay_start_0:
0x88: {  	s2 =	sld [smem:$0x3FD9]  }
0x89: {  	s3 =	sld [smem:$0x3FFE];
	_ =	sdelay $0x1  }
0x8a: {  	s1 =	srdreg.scid  }
0x8b: {  	s0 =	sand.u32 $0x1, s1  }
0x8c: {  	s18 =	sshll.u32 s0, $0xA;
	s2 =	sadd.s32 s3, s2  }
0x8d: {  	s2 =	sadd.s32 s2, s18  }
0x8e: {  	[smem:$0x3FC7] =	sst s2  }
0x8f: {  	_ = 	snop  }
0x90: {  	s2 =	sld [smem:$0x3FC9]  }
0x91: {  	s19 =	sld [smem:$0x3FD0];
	(tm) =	ssettm $0x1  }
0x92: {  	s4 =	sld [smem:$0x3FFB];
	_ =	sdelay $0x3  }
0x93: {  	_ =	strace s4  }
0x94: {  	s4 =	sld [smem:$0x3FFC];
	_ =	sdelay $0x3  }
0x95: {  	_ =	strace s4  }
0x96: {  	s4 =	sld [smem:$0x3FFD];
	_ =	sdelay $0x3  }
0x97: {  	_ =	strace s4  }
0x98: {  	_ =	strace $0x8FFFFFFF  }
0x99: {  	s20 =	sld [smem:$0x3FDB];
	_ =	sdelay $0x1  }
0x9a: {  	s5 =	simm.s32 $_scs_section_size  }
0x9b: {  	s6 =	simm.s32 $_size__tile_overlayer_lowered;
	s7 =	simm.s32 $_tile_overlayer_lowered  }
0x9c: {  	s23 =	simm.s32 $0x1BFF;
	s22 =	sshll.u32 s7, $0x1;
	s4 =	sadd.s32 s5, s20  }
0x9d: {  	s8 =	simm.s32 $0x0;
	s21 =	sshll.u32 s6, $0x1;
	s6 =	sadd.s32 s22, s4  }
0x9e: {  	[timem:s8], [sflag:s23] =	dma.local [hbm:s6], s21  }
0x9f: {  	_ =	swait.ge [sflag:s23], s21  }
0xa0: {  	s5 =	ssub.s32 $0x0, s21;
	[sflag:s23] =	ssyncset.done $0x0  }
0xa1: {  	[sflag:s23] =	ssyncadd.s32 s5;
	_ =	sdelay $0x1  }
0xa2: {  	s24 =	simm.s32 $0x1B8B  }
0xa3: {  	_ =	swait.ge [sflag:s24], $0x1  }
0xa4: {  	[sflag:s24] =	ssyncset.done $0x0  }
0xa5: {  	s25 =	simm.s32 $0x1B8E;
	[sflag:s24] =	ssyncadd.s32 $0xFFFFFFFF  }
0xa6: {  	s26 =	simm.s32 $execute0_lowered;
	[smem:$0x3FD2] =	sst s25  }
0xa7: {  	s5 =	sshll.u32 s26, $0x1;
	_ =	strace $0x80000046;
	[dreg:$0x1] =	wrdreg $0xFFFFFFFF  }
0xa8: {  	s28 =	simm.s32 $_size_execute0_lowered;
	s4 =	sadd.s32 s4, s5;
	[dreg:$0x0] =	wrdreg $0x0  }
0xa9: {  	s5 =	sshll.u32 s28, $0x1;
	[dreg:$0x2] =	wrdreg s4  }
0xaa: {  	[dreg:$0x3] =	wrdreg s5  }
0xab: {  	[dreg:$0x4] =	wrdreg $0xC0  }
0xac: {  	_ =	task [dreg:s8], $0x5FFFF  }
0xad: {  	[dreg:$0x1] =	wrdreg $0xFFFFFFFF  }
0xae: {  	[dreg:$0x0] =	wrdreg $0x60  }
0xaf: {  	[dreg:$0x2] =	wrdreg s2  }
0xb0: {  	[dreg:$0x3] =	wrdreg s19  }
0xb1: {  	[dreg:$0x4] =	wrdreg $0x9  }
0xb2: {  	_ =	task.clear_ibuf [dreg:s8], $0x5FFFF;
	_ =	strace $0x90000046  }
0xb3: {  	s29 =	simm.s32 $0x9;
	_ =	strace $0x80000048  }
0xb4: {  	_ =	swait.ge [sflag:s29], $0x1  }
0xb5: {  	[sflag:s29] =	ssyncadd.s32 $0xFFFFFFFF  }
0xb6: {  	_ =	strace $0x90000048  }
0xb7: {  	_ =	sfence  }
0xb8: {  	s30 =	sld [smem:$0x0];
	_ =	sdelay $0x2  }
0xb9: {  	s31 =	sshll.u32 s1, $0xD;
	s1 =	sshrl.u32 s1, $0x2  }
0xba: {  	s3 =	sand.u32 $0x4000, s31;
	s1 =	sadd.s32 s1, s30  }
0xbb: {  	s0 =	sor.u32 s3, s0;
	s1 =	sshll.u32 s1, $0x11  }
0xbc: {  	s0 =	sor.u32 s1, s0  }
0xbd: {  	s0 =	sadd.s32 $0x8F2B, s0  }
0xbe: {  	[sflag:s0] =	ssyncadd.remote.s32 $0x1  }
0xbf: {  	_ =	sfence.sel $0xFFFF  }
0xc0: {  	[dreg:$0x0] =	wrdreg $0xFFFFFFFF;
	(pc) =	sbr.abs _section_cstart, $3  }
0xc1: {  	[dreg:$0x1] =	wrdreg $0xFFFFFFFF  }
0xc2: {  	_ =	task.clear_ibuf [dreg:s8], $0x2FFFF;
	_ =	strace $0x9FFFFFFF  }
0xc3: {  	(tm) =	ssettm $0x7FFFFFFF  }
tec
execute0_lowered:
.L_overlay_start_1:
0x0: {  	(tag) =	ssettag $0x1  }
0x1: {  	s3 =	stileid.u32  }
0x2: {  	s0 =	rddreg [dreg:$0x0];
	s1 =	srdreg.scid  }
0x3: {  	s4 =	rddreg [dreg:$0x1];
	p0 =	por $0x0, $0x0;
	s31 =	simm.s32 $0x2  }
0x4: {  	s2 =	sshll.u32 s3, $0x1;
	s5 =	sshll.u32 s3, $0xC;
	s3 =	simm.s32 $0x0  }
0x5: {  	s1 =	sand.u32 $0x1, s1;
	s2 =	sand.u32 $0x2, s2;
	[smem:$0x7FF] =	sst s3  }
0x6: {  	s5 =	sand.u32 $0xE000, s5;
	s2 =	sor.u32 s1, s2;
	_ =	strace $0x80000047  }
0x7: {  	s0 =	sadd.s32 s0, s5;
	s1 =	ssub.s32 $0x2, s1;
	s2 =	sshll.u32 s2, $0x15  }
0x8: {  	[dreg:$0x3] =	wrdreg s0;
	s23 =	sshrl.u32 s1, $0x1;
	s2 =	sor.u32 s5, s2  }
0x9: {  	s1 =	ssub.s32 s1, s23;
	s0 =	rddreg [dreg:$0x3];
	s4 =	sadd.s32 s4, s2  }
0xa: {  	s26 =	smax.u32 s1, $0x1;
	s2 =	simm.s32 $0x1;
	s19 =	sadd.s32 $0x10000, s4  }
0xb: {  	s20 =	sadd.s32 $0x20000, s4;
	s21 =	sadd.s32 $0x30000, s4;
	s22 =	sadd.s32 $0x40000, s4  }
0xc: {  	s24 =	sadd.s32 $0x50000, s4;
	s25 =	sadd.s32 $0x60000, s4;
	s5 =	sadd.s32 $0x70000, s4  }
0xd: {  	s6 =	sadd.s32 $0x80000, s4;
	s7 =	sadd.s32 $0x90000, s4;
	s8 =	sadd.s32 $0xA0000, s4  }
0xe: {  	s9 =	sadd.s32 $0xB0000, s4;
	s10 =	sadd.s32 $0xC0000, s4;
	s11 =	sadd.s32 $0xD0000, s4  }
0xf: {  	s12 =	sadd.s32 $0xE0000, s4;
	s13 =	sadd.s32 $0xF0000, s4;
	s14 =	sadd.s32 $0x100000, s4  }
0x10: {  	s15 =	sadd.s32 $0x110000, s4;
	s16 =	sadd.s32 $0x120000, s4;
	[dreg:$0x4] =	wrdreg s19  }
0x11: {  	s17 =	sadd.s32 $0x130000, s4;
	s18 =	sadd.s32 $0x140000, s4;
	[dreg:$0x5] =	wrdreg s20  }
0x12: {  	s23 =	sadd.s32 $0x190000, s4;
	p1 =	sne.s32 s26, $0x1;
	[dreg:$0x6] =	wrdreg s21  }
.Ltmp0:
0x13: {  	s1 =	sadd.s32 $0xFFFFFFFF, s26;
	[dreg:$0x7] =	wrdreg s22;
	(pc) =	sbr.rel @!p1 .LBB2_3-.Ltmp0, $4  }
0x14: {  	s26 =	sadd.s32 $0x1C0000, s4;
	s28 =	sadd.s32 $0x1D0000, s4;
	[dreg:$0x8] =	wrdreg s24  }
0x15: {  	s29 =	sadd.s32 $0x1E0000, s4;
	s30 =	sadd.s32 $0x1F0000, s4;
	[dreg:$0x9] =	wrdreg s25  }
0x16: {  	s19 =	sadd.s32 $0x150000, s4;
	s20 =	sadd.s32 $0x160000, s4;
	s21 =	sadd.s32 $0x170000, s4  }
0x17: {  	s22 =	sadd.s32 $0x180000, s4;
	s24 =	sadd.s32 $0x1A0000, s4;
	s25 =	sadd.s32 $0x1B0000, s4  }
0x18: {  	[tilespmem:s3], [sflag:$0x2] =	stream.linear.gather [hbm4b:s0+s3], $0x10000, $0x38;
	[tilespmem:$0x10000] =	vst v63  }
0x19: {  	_ =	swait.ge [sflag:s31], $0x10000  }
0x1a: {  	[sflag:s31] =	ssyncset.done $0x0  }
0x1b: {  	[dreg:$0xa] =	wrdreg s1;
	[sflag:s31] =	ssyncadd.s32 $0xFFFF0000  }
0x1c: {  	[hbm4b:s4+s3] =	stream.linear.scatter [tilespmem:s3], [sflag:$0x1], $0x10000, $0x38;
	[tilespmem:$0x10000] =	vst v63  }
0x1d: {  	s0 =	rddreg [dreg:$0x4]  }
0x1e: {  	[hbm4b:s0+s3] =	stream.linear.scatter [tilespmem:s3], [sflag:$0x1], $0x10000, $0x38;
	[tilespmem:$0x10000] =	vst v63  }
0x1f: {  	s1 =	rddreg [dreg:$0x5]  }
0x20: {  	[hbm4b:s1+s3] =	stream.linear.scatter [tilespmem:s3], [sflag:$0x1], $0x10000, $0x38;
	[tilespmem:$0x10000] =	vst v63  }
0x21: {  	s0 =	rddreg [dreg:$0x6]  }
0x22: {  	[hbm4b:s0+s3] =	stream.linear.scatter [tilespmem:s3], [sflag:$0x1], $0x10000, $0x38;
	[tilespmem:$0x10000] =	vst v63  }
0x23: {  	s1 =	rddreg [dreg:$0x7]  }
0x24: {  	[hbm4b:s1+s3] =	stream.linear.scatter [tilespmem:s3], [sflag:$0x1], $0x10000, $0x38;
	[tilespmem:$0x10000] =	vst v63  }
0x25: {  	s0 =	rddreg [dreg:$0x8]  }
0x26: {  	[hbm4b:s0+s3] =	stream.linear.scatter [tilespmem:s3], [sflag:$0x1], $0x10000, $0x38;
	[tilespmem:$0x10000] =	vst v63  }
0x27: {  	s1 =	rddreg [dreg:$0x9]  }
0x28: {  	[hbm4b:s1+s3] =	stream.linear.scatter [tilespmem:s3], [sflag:$0x1], $0x10000, $0x38;
	[tilespmem:$0x10000] =	vst v63  }
0x29: {  	_ = 	snop  }
0x2a: {  	[hbm4b:s5+s3] =	stream.linear.scatter [tilespmem:s3], [sflag:$0x1], $0x10000, $0x38;
	[tilespmem:$0x10000] =	vst v63  }
0x2b: {  	_ = 	snop  }
0x2c: {  	[hbm4b:s6+s3] =	stream.linear.scatter [tilespmem:s3], [sflag:$0x1], $0x10000, $0x38;
	[tilespmem:$0x10000] =	vst v63  }
0x2d: {  	_ = 	snop  }
0x2e: {  	[hbm4b:s7+s3] =	stream.linear.scatter [tilespmem:s3], [sflag:$0x1], $0x10000, $0x38;
	[tilespmem:$0x10000] =	vst v63  }
0x2f: {  	_ = 	snop  }
0x30: {  	[hbm4b:s8+s3] =	stream.linear.scatter [tilespmem:s3], [sflag:$0x1], $0x10000, $0x38;
	[tilespmem:$0x10000] =	vst v63  }
0x31: {  	_ = 	snop  }
0x32: {  	[hbm4b:s9+s3] =	stream.linear.scatter [tilespmem:s3], [sflag:$0x1], $0x10000, $0x38;
	[tilespmem:$0x10000] =	vst v63  }
0x33: {  	_ = 	snop  }
0x34: {  	[hbm4b:s10+s3] =	stream.linear.scatter [tilespmem:s3], [sflag:$0x1], $0x10000, $0x38;
	[tilespmem:$0x10000] =	vst v63  }
0x35: {  	_ = 	snop  }
0x36: {  	[hbm4b:s11+s3] =	stream.linear.scatter [tilespmem:s3], [sflag:$0x1], $0x10000, $0x38;
	[tilespmem:$0x10000] =	vst v63  }
0x37: {  	_ = 	snop  }
0x38: {  	[hbm4b:s12+s3] =	stream.linear.scatter [tilespmem:s3], [sflag:$0x1], $0x10000, $0x38;
	[tilespmem:$0x10000] =	vst v63  }
0x39: {  	_ = 	snop  }
0x3a: {  	[hbm4b:s13+s3] =	stream.linear.scatter [tilespmem:s3], [sflag:$0x1], $0x10000, $0x38;
	[tilespmem:$0x10000] =	vst v63  }
0x3b: {  	_ = 	snop  }
0x3c: {  	[hbm4b:s14+s3] =	stream.linear.scatter [tilespmem:s3], [sflag:$0x1], $0x10000, $0x38;
	[tilespmem:$0x10000] =	vst v63  }
0x3d: {  	_ = 	snop  }
0x3e: {  	[hbm4b:s15+s3] =	stream.linear.scatter [tilespmem:s3], [sflag:$0x1], $0x10000, $0x38;
	[tilespmem:$0x10000] =	vst v63  }
0x3f: {  	_ = 	snop  }
0x40: {  	[hbm4b:s16+s3] =	stream.linear.scatter [tilespmem:s3], [sflag:$0x1], $0x10000, $0x38;
	[tilespmem:$0x10000] =	vst v63  }
0x41: {  	_ = 	snop  }
0x42: {  	[hbm4b:s17+s3] =	stream.linear.scatter [tilespmem:s3], [sflag:$0x1], $0x10000, $0x38;
	[tilespmem:$0x10000] =	vst v63  }
0x43: {  	_ = 	snop  }
0x44: {  	[hbm4b:s18+s3] =	stream.linear.scatter [tilespmem:s3], [sflag:$0x1], $0x10000, $0x38;
	[tilespmem:$0x10000] =	vst v63  }
0x45: {  	_ = 	snop  }
0x46: {  	[hbm4b:s19+s3] =	stream.linear.scatter [tilespmem:s3], [sflag:$0x1], $0x10000, $0x38;
	[tilespmem:$0x10000] =	vst v63  }
0x47: {  	_ = 	snop  }
0x48: {  	[hbm4b:s20+s3] =	stream.linear.scatter [tilespmem:s3], [sflag:$0x1], $0x10000, $0x38;
	[tilespmem:$0x10000] =	vst v63  }
0x49: {  	_ = 	snop  }
0x4a: {  	[hbm4b:s21+s3] =	stream.linear.scatter [tilespmem:s3], [sflag:$0x1], $0x10000, $0x38;
	[tilespmem:$0x10000] =	vst v63  }
0x4b: {  	_ = 	snop  }
0x4c: {  	[hbm4b:s22+s3] =	stream.linear.scatter [tilespmem:s3], [sflag:$0x1], $0x10000, $0x38;
	[tilespmem:$0x10000] =	vst v63  }
0x4d: {  	_ = 	snop  }
0x4e: {  	[hbm4b:s23+s3] =	stream.linear.scatter [tilespmem:s3], [sflag:$0x1], $0x10000, $0x38;
	[tilespmem:$0x10000] =	vst v63  }
0x4f: {  	_ = 	snop  }
0x50: {  	[hbm4b:s24+s3] =	stream.linear.scatter [tilespmem:s3], [sflag:$0x1], $0x10000, $0x38;
	[tilespmem:$0x10000] =	vst v63  }
0x51: {  	_ = 	snop  }
0x52: {  	[hbm4b:s25+s3] =	stream.linear.scatter [tilespmem:s3], [sflag:$0x1], $0x10000, $0x38;
	[tilespmem:$0x10000] =	vst v63  }
0x53: {  	_ = 	snop  }
0x54: {  	[hbm4b:s26+s3] =	stream.linear.scatter [tilespmem:s3], [sflag:$0x1], $0x10000, $0x38;
	[tilespmem:$0x10000] =	vst v63  }
0x55: {  	_ = 	snop  }
0x56: {  	[hbm4b:s28+s3] =	stream.linear.scatter [tilespmem:s3], [sflag:$0x1], $0x10000, $0x38;
	[tilespmem:$0x10000] =	vst v63  }
0x57: {  	_ = 	snop  }
0x58: {  	[hbm4b:s29+s3] =	stream.linear.scatter [tilespmem:s3], [sflag:$0x1], $0x10000, $0x38;
	[tilespmem:$0x10000] =	vst v63  }
0x59: {  	_ = 	snop  }
0x5a: {  	[hbm4b:s30+s3] =	stream.linear.scatter [tilespmem:s3], [sflag:$0x1], $0x10000, $0x38;
	[tilespmem:$0x10000] =	vst v63  }
0x5b: {  	_ =	swait.ge [sflag:s2], $0x10000  }
0x5c: {  	[sflag:s2] =	ssyncset.done $0x0  }
0x5d: {  	[sflag:s2] =	ssyncadd.s32 $0xFFFF0000  }
0x5e: {  	_ =	swait.ge [sflag:s2], $0x10000  }
0x5f: {  	[sflag:s2] =	ssyncset.done $0x0  }
0x60: {  	[sflag:s2] =	ssyncadd.s32 $0xFFFF0000  }
0x61: {  	_ =	swait.ge [sflag:s2], $0x10000  }
0x62: {  	[sflag:s2] =	ssyncset.done $0x0  }
0x63: {  	[sflag:s2] =	ssyncadd.s32 $0xFFFF0000  }
0x64: {  	_ =	swait.ge [sflag:s2], $0x10000  }
0x65: {  	[sflag:s2] =	ssyncset.done $0x0  }
0x66: {  	[sflag:s2] =	ssyncadd.s32 $0xFFFF0000  }
0x67: {  	_ =	swait.ge [sflag:s2], $0x10000  }
0x68: {  	[sflag:s2] =	ssyncset.done $0x0  }
0x69: {  	[sflag:s2] =	ssyncadd.s32 $0xFFFF0000  }
0x6a: {  	_ =	swait.ge [sflag:s2], $0x10000  }
0x6b: {  	[sflag:s2] =	ssyncset.done $0x0  }
0x6c: {  	[sflag:s2] =	ssyncadd.s32 $0xFFFF0000  }
0x6d: {  	_ =	swait.ge [sflag:s2], $0x10000  }
0x6e: {  	[sflag:s2] =	ssyncset.done $0x0  }
0x6f: {  	[sflag:s2] =	ssyncadd.s32 $0xFFFF0000  }
0x70: {  	_ =	swait.ge [sflag:s2], $0x10000  }
0x71: {  	[sflag:s2] =	ssyncset.done $0x0  }
0x72: {  	[sflag:s2] =	ssyncadd.s32 $0xFFFF0000  }
0x73: {  	_ =	swait.ge [sflag:s2], $0x10000  }
0x74: {  	[sflag:s2] =	ssyncset.done $0x0  }
0x75: {  	[sflag:s2] =	ssyncadd.s32 $0xFFFF0000  }
0x76: {  	_ =	swait.ge [sflag:s2], $0x10000  }
0x77: {  	[sflag:s2] =	ssyncset.done $0x0  }
0x78: {  	[sflag:s2] =	ssyncadd.s32 $0xFFFF0000  }
0x79: {  	_ =	swait.ge [sflag:s2], $0x10000  }
0x7a: {  	[sflag:s2] =	ssyncset.done $0x0  }
0x7b: {  	[sflag:s2] =	ssyncadd.s32 $0xFFFF0000  }
0x7c: {  	_ =	swait.ge [sflag:s2], $0x10000  }
0x7d: {  	[sflag:s2] =	ssyncset.done $0x0  }
0x7e: {  	[sflag:s2] =	ssyncadd.s32 $0xFFFF0000  }
0x7f: {  	_ =	swait.ge [sflag:s2], $0x10000  }
0x80: {  	[sflag:s2] =	ssyncset.done $0x0  }
0x81: {  	[sflag:s2] =	ssyncadd.s32 $0xFFFF0000  }
0x82: {  	_ =	swait.ge [sflag:s2], $0x10000  }
0x83: {  	[sflag:s2] =	ssyncset.done $0x0  }
0x84: {  	[sflag:s2] =	ssyncadd.s32 $0xFFFF0000  }
0x85: {  	_ =	swait.ge [sflag:s2], $0x10000  }
0x86: {  	[sflag:s2] =	ssyncset.done $0x0  }
0x87: {  	[sflag:s2] =	ssyncadd.s32 $0xFFFF0000  }
0x88: {  	_ =	swait.ge [sflag:s2], $0x10000  }
0x89: {  	[sflag:s2] =	ssyncset.done $0x0  }
0x8a: {  	[sflag:s2] =	ssyncadd.s32 $0xFFFF0000  }
0x8b: {  	_ =	swait.ge [sflag:s2], $0x10000  }
0x8c: {  	[sflag:s2] =	ssyncset.done $0x0  }
0x8d: {  	[sflag:s2] =	ssyncadd.s32 $0xFFFF0000  }
0x8e: {  	_ =	swait.ge [sflag:s2], $0x10000  }
0x8f: {  	[sflag:s2] =	ssyncset.done $0x0  }
0x90: {  	[sflag:s2] =	ssyncadd.s32 $0xFFFF0000  }
0x91: {  	_ =	swait.ge [sflag:s2], $0x10000  }
0x92: {  	[sflag:s2] =	ssyncset.done $0x0  }
0x93: {  	[sflag:s2] =	ssyncadd.s32 $0xFFFF0000  }
0x94: {  	_ =	swait.ge [sflag:s2], $0x10000  }
0x95: {  	[sflag:s2] =	ssyncset.done $0x0  }
0x96: {  	[sflag:s2] =	ssyncadd.s32 $0xFFFF0000  }
0x97: {  	_ =	swait.ge [sflag:s2], $0x10000  }
0x98: {  	[sflag:s2] =	ssyncset.done $0x0  }
0x99: {  	[sflag:s2] =	ssyncadd.s32 $0xFFFF0000  }
0x9a: {  	_ =	swait.ge [sflag:s2], $0x10000  }
0x9b: {  	[sflag:s2] =	ssyncset.done $0x0  }
0x9c: {  	[sflag:s2] =	ssyncadd.s32 $0xFFFF0000  }
0x9d: {  	_ =	swait.ge [sflag:s2], $0x10000  }
0x9e: {  	[sflag:s2] =	ssyncset.done $0x0  }
0x9f: {  	[sflag:s2] =	ssyncadd.s32 $0xFFFF0000  }
0xa0: {  	_ =	swait.ge [sflag:s2], $0x10000  }
0xa1: {  	[sflag:s2] =	ssyncset.done $0x0  }
0xa2: {  	[sflag:s2] =	ssyncadd.s32 $0xFFFF0000  }
0xa3: {  	_ =	swait.ge [sflag:s2], $0x10000  }
0xa4: {  	[sflag:s2] =	ssyncset.done $0x0  }
0xa5: {  	[sflag:s2] =	ssyncadd.s32 $0xFFFF0000  }
0xa6: {  	_ =	swait.ge [sflag:s2], $0x10000  }
0xa7: {  	[sflag:s2] =	ssyncset.done $0x0  }
0xa8: {  	[sflag:s2] =	ssyncadd.s32 $0xFFFF0000  }
0xa9: {  	_ =	swait.ge [sflag:s2], $0x10000  }
0xaa: {  	[sflag:s2] =	ssyncset.done $0x0  }
0xab: {  	[sflag:s2] =	ssyncadd.s32 $0xFFFF0000  }
0xac: {  	_ =	swait.ge [sflag:s2], $0x10000  }
0xad: {  	[sflag:s2] =	ssyncset.done $0x0  }
0xae: {  	[sflag:s2] =	ssyncadd.s32 $0xFFFF0000  }
0xaf: {  	_ =	swait.ge [sflag:s2], $0x10000  }
0xb0: {  	[sflag:s2] =	ssyncset.done $0x0  }
0xb1: {  	[sflag:s2] =	ssyncadd.s32 $0xFFFF0000  }
0xb2: {  	_ =	swait.ge [sflag:s2], $0x10000  }
0xb3: {  	[sflag:s2] =	ssyncset.done $0x0  }
0xb4: {  	[sflag:s2] =	ssyncadd.s32 $0xFFFF0000  }
0xb5: {  	_ =	swait.ge [sflag:s2], $0x10000  }
0xb6: {  	s1 =	rddreg [dreg:$0xa]  }
0xb7: {  	p1 =	sne.s32 s1, $0x1  }
.Ltmp1:
0xb8: {  	_ = 	snop;
	(pc) =	sbr.rel @!p1 .LBB2_3-.Ltmp1, $4  }
0xb9: {  	[sflag:s2] =	ssyncset.done $0x0  }
0xba: {  	[sflag:s2] =	ssyncadd.s32 $0xFFFF0000  }
0xbb: {  	p0 =	por $0x1, $0x1;
	_ =	swait.ge [sflag:s2], $0x10000  }
0xbc: {  	s1 =	sadd.s32 $0xFFFFFFFF, s1;
	s0 =	rddreg [dreg:$0x3];
	[sflag:s2] =	ssyncset.done $0x0  }
.LBB2_2:
0xbd: {  	[sflag:s2] =	ssyncadd.s32 $0xFFFF0000  }
0xbe: {  	[tilespmem:s3], [sflag:$0x2] =	stream.linear.gather [hbm4b:s0+s3], $0x10000, $0x38;
	[tilespmem:$0x10000] =	vst v63  }
0xbf: {  	_ =	swait.ge [sflag:s31], $0x10000  }
0xc0: {  	[sflag:s31] =	ssyncset.done $0x0  }
0xc1: {  	s0 =	rddreg [dreg:$0x4];
	[sflag:s31] =	ssyncadd.s32 $0xFFFF0000  }
0xc2: {  	[hbm4b:s4+s3] =	stream.linear.scatter [tilespmem:s3], [sflag:$0x1], $0x10000, $0x38;
	[tilespmem:$0x10000] =	vst v63  }
0xc3: {  	s31 =	smov.u32 s4;
	s4 =	smov.u32 s30;
	s30 =	smov.u32 s29  }
0xc4: {  	s29 =	smov.u32 s28;
	s28 =	smov.u32 s26;
	s26 =	smov.u32 s25  }
0xc5: {  	s25 =	smov.u32 s24;
	s24 =	smov.u32 s23;
	s23 =	smov.u32 s22  }
0xc6: {  	s22 =	smov.u32 s21;
	s21 =	smov.u32 s20;
	s20 =	smov.u32 s19  }
0xc7: {  	s19 =	smov.u32 s18;
	s18 =	smov.u32 s17;
	s17 =	smov.u32 s16  }
0xc8: {  	s16 =	smov.u32 s15;
	s15 =	smov.u32 s14;
	s14 =	smov.u32 s13  }
0xc9: {  	s13 =	smov.u32 s12;
	s12 =	smov.u32 s11;
	s11 =	smov.u32 s10  }
0xca: {  	s10 =	smov.u32 s9;
	s9 =	smov.u32 s8;
	s8 =	smov.u32 s7  }
0xcb: {  	[hbm4b:s0+s3] =	stream.linear.scatter [tilespmem:s3], [sflag:$0x1], $0x10000, $0x38;
	[tilespmem:$0x10000] =	vst v63  }
0xcc: {  	s7 =	smov.u32 s6;
	s6 =	smov.u32 s5;
	s5 =	rddreg [dreg:$0x5]  }
0xcd: {  	[hbm4b:s5+s3] =	stream.linear.scatter [tilespmem:s3], [sflag:$0x1], $0x10000, $0x38;
	[tilespmem:$0x10000] =	vst v63  }
0xce: {  	s0 =	rddreg [dreg:$0x6]  }
0xcf: {  	[hbm4b:s0+s3] =	stream.linear.scatter [tilespmem:s3], [sflag:$0x1], $0x10000, $0x38;
	[tilespmem:$0x10000] =	vst v63  }
0xd0: {  	s5 =	rddreg [dreg:$0x7]  }
0xd1: {  	[hbm4b:s5+s3] =	stream.linear.scatter [tilespmem:s3], [sflag:$0x1], $0x10000, $0x38;
	[tilespmem:$0x10000] =	vst v63  }
0xd2: {  	s0 =	rddreg [dreg:$0x8]  }
0xd3: {  	[hbm4b:s0+s3] =	stream.linear.scatter [tilespmem:s3], [sflag:$0x1], $0x10000, $0x38;
	[tilespmem:$0x10000] =	vst v63  }
0xd4: {  	s5 =	rddreg [dreg:$0x9]  }
0xd5: {  	[hbm4b:s5+s3] =	stream.linear.scatter [tilespmem:s3], [sflag:$0x1], $0x10000, $0x38;
	[tilespmem:$0x10000] =	vst v63  }
0xd6: {  	s5 =	smov.u32 s6  }
0xd7: {  	[hbm4b:s5+s3] =	stream.linear.scatter [tilespmem:s3], [sflag:$0x1], $0x10000, $0x38;
	[tilespmem:$0x10000] =	vst v63  }
0xd8: {  	s6 =	smov.u32 s7  }
0xd9: {  	[hbm4b:s6+s3] =	stream.linear.scatter [tilespmem:s3], [sflag:$0x1], $0x10000, $0x38;
	[tilespmem:$0x10000] =	vst v63  }
0xda: {  	s7 =	smov.u32 s8  }
0xdb: {  	[hbm4b:s7+s3] =	stream.linear.scatter [tilespmem:s3], [sflag:$0x1], $0x10000, $0x38;
	[tilespmem:$0x10000] =	vst v63  }
0xdc: {  	s8 =	smov.u32 s9  }
0xdd: {  	[hbm4b:s8+s3] =	stream.linear.scatter [tilespmem:s3], [sflag:$0x1], $0x10000, $0x38;
	[tilespmem:$0x10000] =	vst v63  }
0xde: {  	s9 =	smov.u32 s10  }
0xdf: {  	[hbm4b:s9+s3] =	stream.linear.scatter [tilespmem:s3], [sflag:$0x1], $0x10000, $0x38;
	[tilespmem:$0x10000] =	vst v63  }
0xe0: {  	s10 =	smov.u32 s11  }
0xe1: {  	[hbm4b:s10+s3] =	stream.linear.scatter [tilespmem:s3], [sflag:$0x1], $0x10000, $0x38;
	[tilespmem:$0x10000] =	vst v63  }
0xe2: {  	s11 =	smov.u32 s12  }
0xe3: {  	[hbm4b:s11+s3] =	stream.linear.scatter [tilespmem:s3], [sflag:$0x1], $0x10000, $0x38;
	[tilespmem:$0x10000] =	vst v63  }
0xe4: {  	s12 =	smov.u32 s13  }
0xe5: {  	[hbm4b:s12+s3] =	stream.linear.scatter [tilespmem:s3], [sflag:$0x1], $0x10000, $0x38;
	[tilespmem:$0x10000] =	vst v63  }
0xe6: {  	s13 =	smov.u32 s14  }
0xe7: {  	[hbm4b:s13+s3] =	stream.linear.scatter [tilespmem:s3], [sflag:$0x1], $0x10000, $0x38;
	[tilespmem:$0x10000] =	vst v63  }
0xe8: {  	s14 =	smov.u32 s15  }
0xe9: {  	[hbm4b:s14+s3] =	stream.linear.scatter [tilespmem:s3], [sflag:$0x1], $0x10000, $0x38;
	[tilespmem:$0x10000] =	vst v63  }
0xea: {  	s15 =	smov.u32 s16  }
0xeb: {  	[hbm4b:s15+s3] =	stream.linear.scatter [tilespmem:s3], [sflag:$0x1], $0x10000, $0x38;
	[tilespmem:$0x10000] =	vst v63  }
0xec: {  	s16 =	smov.u32 s17  }
0xed: {  	[hbm4b:s16+s3] =	stream.linear.scatter [tilespmem:s3], [sflag:$0x1], $0x10000, $0x38;
	[tilespmem:$0x10000] =	vst v63  }
0xee: {  	s17 =	smov.u32 s18  }
0xef: {  	[hbm4b:s17+s3] =	stream.linear.scatter [tilespmem:s3], [sflag:$0x1], $0x10000, $0x38;
	[tilespmem:$0x10000] =	vst v63  }
0xf0: {  	s18 =	smov.u32 s19  }
0xf1: {  	[hbm4b:s18+s3] =	stream.linear.scatter [tilespmem:s3], [sflag:$0x1], $0x10000, $0x38;
	[tilespmem:$0x10000] =	vst v63  }
0xf2: {  	s19 =	smov.u32 s20  }
0xf3: {  	[hbm4b:s19+s3] =	stream.linear.scatter [tilespmem:s3], [sflag:$0x1], $0x10000, $0x38;
	[tilespmem:$0x10000] =	vst v63  }
0xf4: {  	s20 =	smov.u32 s21  }
0xf5: {  	[hbm4b:s20+s3] =	stream.linear.scatter [tilespmem:s3], [sflag:$0x1], $0x10000, $0x38;
	[tilespmem:$0x10000] =	vst v63  }
0xf6: {  	s21 =	smov.u32 s22  }
0xf7: {  	[hbm4b:s21+s3] =	stream.linear.scatter [tilespmem:s3], [sflag:$0x1], $0x10000, $0x38;
	[tilespmem:$0x10000] =	vst v63  }
0xf8: {  	s22 =	smov.u32 s23  }
0xf9: {  	[hbm4b:s22+s3] =	stream.linear.scatter [tilespmem:s3], [sflag:$0x1], $0x10000, $0x38;
	[tilespmem:$0x10000] =	vst v63  }
0xfa: {  	s23 =	smov.u32 s24  }
0xfb: {  	[hbm4b:s23+s3] =	stream.linear.scatter [tilespmem:s3], [sflag:$0x1], $0x10000, $0x38;
	[tilespmem:$0x10000] =	vst v63  }
0xfc: {  	s24 =	smov.u32 s25  }
0xfd: {  	[hbm4b:s24+s3] =	stream.linear.scatter [tilespmem:s3], [sflag:$0x1], $0x10000, $0x38;
	[tilespmem:$0x10000] =	vst v63  }
0xfe: {  	s25 =	smov.u32 s26  }
0xff: {  	[hbm4b:s25+s3] =	stream.linear.scatter [tilespmem:s3], [sflag:$0x1], $0x10000, $0x38;
	[tilespmem:$0x10000] =	vst v63  }
0x100: {  	s26 =	smov.u32 s28  }
0x101: {  	[hbm4b:s26+s3] =	stream.linear.scatter [tilespmem:s3], [sflag:$0x1], $0x10000, $0x38;
	[tilespmem:$0x10000] =	vst v63  }
0x102: {  	s28 =	smov.u32 s29  }
0x103: {  	[hbm4b:s28+s3] =	stream.linear.scatter [tilespmem:s3], [sflag:$0x1], $0x10000, $0x38;
	[tilespmem:$0x10000] =	vst v63  }
0x104: {  	s29 =	smov.u32 s30  }
0x105: {  	[hbm4b:s29+s3] =	stream.linear.scatter [tilespmem:s3], [sflag:$0x1], $0x10000, $0x38;
	[tilespmem:$0x10000] =	vst v63  }
0x106: {  	s30 =	smov.u32 s4  }
0x107: {  	[hbm4b:s30+s3] =	stream.linear.scatter [tilespmem:s3], [sflag:$0x1], $0x10000, $0x38;
	[tilespmem:$0x10000] =	vst v63  }
0x108: {  	_ =	swait.ge [sflag:s2], $0x10000  }
0x109: {  	[sflag:s2] =	ssyncset.done $0x0  }
0x10a: {  	[sflag:s2] =	ssyncadd.s32 $0xFFFF0000  }
0x10b: {  	_ =	swait.ge [sflag:s2], $0x10000  }
0x10c: {  	[sflag:s2] =	ssyncset.done $0x0  }
0x10d: {  	[sflag:s2] =	ssyncadd.s32 $0xFFFF0000  }
0x10e: {  	_ =	swait.ge [sflag:s2], $0x10000  }
0x10f: {  	[sflag:s2] =	ssyncset.done $0x0  }
0x110: {  	[sflag:s2] =	ssyncadd.s32 $0xFFFF0000  }
0x111: {  	_ =	swait.ge [sflag:s2], $0x10000  }
0x112: {  	[sflag:s2] =	ssyncset.done $0x0  }
0x113: {  	[sflag:s2] =	ssyncadd.s32 $0xFFFF0000  }
0x114: {  	_ =	swait.ge [sflag:s2], $0x10000  }
0x115: {  	[sflag:s2] =	ssyncset.done $0x0  }
0x116: {  	[sflag:s2] =	ssyncadd.s32 $0xFFFF0000  }
0x117: {  	_ =	swait.ge [sflag:s2], $0x10000  }
0x118: {  	[sflag:s2] =	ssyncset.done $0x0  }
0x119: {  	[sflag:s2] =	ssyncadd.s32 $0xFFFF0000  }
0x11a: {  	_ =	swait.ge [sflag:s2], $0x10000  }
0x11b: {  	[sflag:s2] =	ssyncset.done $0x0  }
0x11c: {  	[sflag:s2] =	ssyncadd.s32 $0xFFFF0000  }
0x11d: {  	_ =	swait.ge [sflag:s2], $0x10000  }
0x11e: {  	[sflag:s2] =	ssyncset.done $0x0  }
0x11f: {  	[sflag:s2] =	ssyncadd.s32 $0xFFFF0000  }
0x120: {  	_ =	swait.ge [sflag:s2], $0x10000  }
0x121: {  	[sflag:s2] =	ssyncset.done $0x0  }
0x122: {  	[sflag:s2] =	ssyncadd.s32 $0xFFFF0000  }
0x123: {  	_ =	swait.ge [sflag:s2], $0x10000  }
0x124: {  	[sflag:s2] =	ssyncset.done $0x0  }
0x125: {  	[sflag:s2] =	ssyncadd.s32 $0xFFFF0000  }
0x126: {  	_ =	swait.ge [sflag:s2], $0x10000  }
0x127: {  	[sflag:s2] =	ssyncset.done $0x0  }
0x128: {  	[sflag:s2] =	ssyncadd.s32 $0xFFFF0000  }
0x129: {  	_ =	swait.ge [sflag:s2], $0x10000  }
0x12a: {  	[sflag:s2] =	ssyncset.done $0x0  }
0x12b: {  	[sflag:s2] =	ssyncadd.s32 $0xFFFF0000  }
0x12c: {  	_ =	swait.ge [sflag:s2], $0x10000  }
0x12d: {  	[sflag:s2] =	ssyncset.done $0x0  }
0x12e: {  	[sflag:s2] =	ssyncadd.s32 $0xFFFF0000  }
0x12f: {  	_ =	swait.ge [sflag:s2], $0x10000  }
0x130: {  	[sflag:s2] =	ssyncset.done $0x0  }
0x131: {  	[sflag:s2] =	ssyncadd.s32 $0xFFFF0000  }
0x132: {  	_ =	swait.ge [sflag:s2], $0x10000  }
0x133: {  	[sflag:s2] =	ssyncset.done $0x0  }
0x134: {  	[sflag:s2] =	ssyncadd.s32 $0xFFFF0000  }
0x135: {  	_ =	swait.ge [sflag:s2], $0x10000  }
0x136: {  	[sflag:s2] =	ssyncset.done $0x0  }
0x137: {  	[sflag:s2] =	ssyncadd.s32 $0xFFFF0000  }
0x138: {  	_ =	swait.ge [sflag:s2], $0x10000  }
0x139: {  	[sflag:s2] =	ssyncset.done $0x0  }
0x13a: {  	[sflag:s2] =	ssyncadd.s32 $0xFFFF0000  }
0x13b: {  	_ =	swait.ge [sflag:s2], $0x10000  }
0x13c: {  	[sflag:s2] =	ssyncset.done $0x0  }
0x13d: {  	[sflag:s2] =	ssyncadd.s32 $0xFFFF0000  }
0x13e: {  	_ =	swait.ge [sflag:s2], $0x10000  }
0x13f: {  	[sflag:s2] =	ssyncset.done $0x0  }
0x140: {  	[sflag:s2] =	ssyncadd.s32 $0xFFFF0000  }
0x141: {  	_ =	swait.ge [sflag:s2], $0x10000  }
0x142: {  	[sflag:s2] =	ssyncset.done $0x0  }
0x143: {  	[sflag:s2] =	ssyncadd.s32 $0xFFFF0000  }
0x144: {  	_ =	swait.ge [sflag:s2], $0x10000  }
0x145: {  	[sflag:s2] =	ssyncset.done $0x0  }
0x146: {  	[sflag:s2] =	ssyncadd.s32 $0xFFFF0000  }
0x147: {  	_ =	swait.ge [sflag:s2], $0x10000  }
0x148: {  	[sflag:s2] =	ssyncset.done $0x0  }
0x149: {  	[sflag:s2] =	ssyncadd.s32 $0xFFFF0000  }
0x14a: {  	_ =	swait.ge [sflag:s2], $0x10000  }
0x14b: {  	[sflag:s2] =	ssyncset.done $0x0  }
0x14c: {  	[sflag:s2] =	ssyncadd.s32 $0xFFFF0000  }
0x14d: {  	_ =	swait.ge [sflag:s2], $0x10000  }
0x14e: {  	[sflag:s2] =	ssyncset.done $0x0  }
0x14f: {  	[sflag:s2] =	ssyncadd.s32 $0xFFFF0000  }
0x150: {  	_ =	swait.ge [sflag:s2], $0x10000  }
0x151: {  	[sflag:s2] =	ssyncset.done $0x0  }
0x152: {  	[sflag:s2] =	ssyncadd.s32 $0xFFFF0000  }
0x153: {  	_ =	swait.ge [sflag:s2], $0x10000  }
0x154: {  	[sflag:s2] =	ssyncset.done $0x0  }
0x155: {  	[sflag:s2] =	ssyncadd.s32 $0xFFFF0000  }
0x156: {  	_ =	swait.ge [sflag:s2], $0x10000  }
0x157: {  	[sflag:s2] =	ssyncset.done $0x0  }
0x158: {  	[sflag:s2] =	ssyncadd.s32 $0xFFFF0000  }
0x159: {  	_ =	swait.ge [sflag:s2], $0x10000  }
0x15a: {  	[sflag:s2] =	ssyncset.done $0x0  }
0x15b: {  	[sflag:s2] =	ssyncadd.s32 $0xFFFF0000  }
0x15c: {  	_ =	swait.ge [sflag:s2], $0x10000  }
0x15d: {  	[sflag:s2] =	ssyncset.done $0x0  }
0x15e: {  	[sflag:s2] =	ssyncadd.s32 $0xFFFF0000  }
0x15f: {  	_ =	swait.ge [sflag:s2], $0x10000  }
0x160: {  	[sflag:s2] =	ssyncset.done $0x0  }
0x161: {  	p1 =	sne.s32 s1, $0x1;
	[sflag:s2] =	ssyncadd.s32 $0xFFFF0000  }
.Ltmp2:
0x162: {  	_ =	swait.ge [sflag:s2], $0x10000;
	(pc) =	sbr.rel @p1 .LBB2_2-.Ltmp2, $4  }
0x163: {  	[sflag:s2] =	ssyncset.done $0x0  }
0x164: {  	[sflag:s2] =	ssyncadd.s32 $0xFFFF0000  }
0x165: {  	s1 =	sadd.s32 $0xFFFFFFFF, s1;
	s4 =	smov.u32 s31;
	_ =	swait.ge [sflag:s2], $0x10000  }
0x166: {  	s31 =	simm.s32 $0x2;
	s0 =	rddreg [dreg:$0x3];
	[sflag:s2] =	ssyncset.done $0x0  }
.LBB2_3:
0x167: {  	[sflag:s2] =	ssyncadd.s32 @p0 $0xFFFF0000  }
0x168: {  	[tilespmem:s3], [sflag:$0x2] =	stream.linear.gather [hbm4b:s0+s3], $0x10000, $0x38;
	[tilespmem:$0x10000] =	vst v63  }
0x169: {  	_ =	swait.ge [sflag:s31], $0x10000  }
0x16a: {  	[sflag:s31] =	ssyncset.done $0x0  }
0x16b: {  	[sflag:s31] =	ssyncadd.s32 $0xFFFF0000  }
0x16c: {  	[hbm4b:s4+s3] =	stream.linear.scatter [tilespmem:s3], [sflag:$0x1], $0x10000, $0x38;
	[tilespmem:$0x10000] =	vst v63  }
0x16d: {  	s31 =	rddreg [dreg:$0x4]  }
0x16e: {  	[hbm4b:s31+s3] =	stream.linear.scatter [tilespmem:s3], [sflag:$0x1], $0x10000, $0x38;
	[tilespmem:$0x10000] =	vst v63  }
0x16f: {  	s1 =	rddreg [dreg:$0x5]  }
0x170: {  	[hbm4b:s1+s3] =	stream.linear.scatter [tilespmem:s3], [sflag:$0x1], $0x10000, $0x38;
	[tilespmem:$0x10000] =	vst v63  }
0x171: {  	s31 =	rddreg [dreg:$0x6]  }
0x172: {  	[hbm4b:s31+s3] =	stream.linear.scatter [tilespmem:s3], [sflag:$0x1], $0x10000, $0x38;
	[tilespmem:$0x10000] =	vst v63  }
0x173: {  	s4 =	rddreg [dreg:$0x7]  }
0x174: {  	[hbm4b:s4+s3] =	stream.linear.scatter [tilespmem:s3], [sflag:$0x1], $0x10000, $0x38;
	[tilespmem:$0x10000] =	vst v63  }
0x175: {  	s31 =	rddreg [dreg:$0x8]  }
0x176: {  	[hbm4b:s31+s3] =	stream.linear.scatter [tilespmem:s3], [sflag:$0x1], $0x10000, $0x38;
	[tilespmem:$0x10000] =	vst v63  }
0x177: {  	s4 =	rddreg [dreg:$0x9]  }
0x178: {  	[hbm4b:s4+s3] =	stream.linear.scatter [tilespmem:s3], [sflag:$0x1], $0x10000, $0x38;
	[tilespmem:$0x10000] =	vst v63  }
0x179: {  	_ = 	snop  }
0x17a: {  	[hbm4b:s5+s3] =	stream.linear.scatter [tilespmem:s3], [sflag:$0x1], $0x10000, $0x38;
	[tilespmem:$0x10000] =	vst v63  }
0x17b: {  	_ = 	snop  }
0x17c: {  	[hbm4b:s6+s3] =	stream.linear.scatter [tilespmem:s3], [sflag:$0x1], $0x10000, $0x38;
	[tilespmem:$0x10000] =	vst v63  }
0x17d: {  	_ = 	snop  }
0x17e: {  	[hbm4b:s7+s3] =	stream.linear.scatter [tilespmem:s3], [sflag:$0x1], $0x10000, $0x38;
	[tilespmem:$0x10000] =	vst v63  }
0x17f: {  	_ = 	snop  }
0x180: {  	[hbm4b:s8+s3] =	stream.linear.scatter [tilespmem:s3], [sflag:$0x1], $0x10000, $0x38;
	[tilespmem:$0x10000] =	vst v63  }
0x181: {  	_ = 	snop  }
0x182: {  	[hbm4b:s9+s3] =	stream.linear.scatter [tilespmem:s3], [sflag:$0x1], $0x10000, $0x38;
	[tilespmem:$0x10000] =	vst v63  }
0x183: {  	_ = 	snop  }
0x184: {  	[hbm4b:s10+s3] =	stream.linear.scatter [tilespmem:s3], [sflag:$0x1], $0x10000, $0x38;
	[tilespmem:$0x10000] =	vst v63  }
0x185: {  	_ = 	snop  }
0x186: {  	[hbm4b:s11+s3] =	stream.linear.scatter [tilespmem:s3], [sflag:$0x1], $0x10000, $0x38;
	[tilespmem:$0x10000] =	vst v63  }
0x187: {  	_ = 	snop  }
0x188: {  	[hbm4b:s12+s3] =	stream.linear.scatter [tilespmem:s3], [sflag:$0x1], $0x10000, $0x38;
	[tilespmem:$0x10000] =	vst v63  }
0x189: {  	_ = 	snop  }
0x18a: {  	[hbm4b:s13+s3] =	stream.linear.scatter [tilespmem:s3], [sflag:$0x1], $0x10000, $0x38;
	[tilespmem:$0x10000] =	vst v63  }
0x18b: {  	_ = 	snop  }
0x18c: {  	[hbm4b:s14+s3] =	stream.linear.scatter [tilespmem:s3], [sflag:$0x1], $0x10000, $0x38;
	[tilespmem:$0x10000] =	vst v63  }
0x18d: {  	_ = 	snop  }
0x18e: {  	[hbm4b:s15+s3] =	stream.linear.scatter [tilespmem:s3], [sflag:$0x1], $0x10000, $0x38;
	[tilespmem:$0x10000] =	vst v63  }
0x18f: {  	_ = 	snop  }
0x190: {  	[hbm4b:s16+s3] =	stream.linear.scatter [tilespmem:s3], [sflag:$0x1], $0x10000, $0x38;
	[tilespmem:$0x10000] =	vst v63  }
0x191: {  	_ = 	snop  }
0x192: {  	[hbm4b:s17+s3] =	stream.linear.scatter [tilespmem:s3], [sflag:$0x1], $0x10000, $0x38;
	[tilespmem:$0x10000] =	vst v63  }
0x193: {  	_ = 	snop  }
0x194: {  	[hbm4b:s18+s3] =	stream.linear.scatter [tilespmem:s3], [sflag:$0x1], $0x10000, $0x38;
	[tilespmem:$0x10000] =	vst v63  }
0x195: {  	_ = 	snop  }
0x196: {  	[hbm4b:s19+s3] =	stream.linear.scatter [tilespmem:s3], [sflag:$0x1], $0x10000, $0x38;
	[tilespmem:$0x10000] =	vst v63  }
0x197: {  	_ = 	snop  }
0x198: {  	[hbm4b:s20+s3] =	stream.linear.scatter [tilespmem:s3], [sflag:$0x1], $0x10000, $0x38;
	[tilespmem:$0x10000] =	vst v63  }
0x199: {  	_ = 	snop  }
0x19a: {  	[hbm4b:s21+s3] =	stream.linear.scatter [tilespmem:s3], [sflag:$0x1], $0x10000, $0x38;
	[tilespmem:$0x10000] =	vst v63  }
0x19b: {  	_ = 	snop  }
0x19c: {  	[hbm4b:s22+s3] =	stream.linear.scatter [tilespmem:s3], [sflag:$0x1], $0x10000, $0x38;
	[tilespmem:$0x10000] =	vst v63  }
0x19d: {  	_ = 	snop  }
0x19e: {  	[hbm4b:s23+s3] =	stream.linear.scatter [tilespmem:s3], [sflag:$0x1], $0x10000, $0x38;
	[tilespmem:$0x10000] =	vst v63  }
0x19f: {  	_ = 	snop  }
0x1a0: {  	[hbm4b:s24+s3] =	stream.linear.scatter [tilespmem:s3], [sflag:$0x1], $0x10000, $0x38;
	[tilespmem:$0x10000] =	vst v63  }
0x1a1: {  	_ = 	snop  }
0x1a2: {  	[hbm4b:s25+s3] =	stream.linear.scatter [tilespmem:s3], [sflag:$0x1], $0x10000, $0x38;
	[tilespmem:$0x10000] =	vst v63  }
0x1a3: {  	_ = 	snop  }
0x1a4: {  	[hbm4b:s26+s3] =	stream.linear.scatter [tilespmem:s3], [sflag:$0x1], $0x10000, $0x38;
	[tilespmem:$0x10000] =	vst v63  }
0x1a5: {  	_ = 	snop  }
0x1a6: {  	[hbm4b:s28+s3] =	stream.linear.scatter [tilespmem:s3], [sflag:$0x1], $0x10000, $0x38;
	[tilespmem:$0x10000] =	vst v63  }
0x1a7: {  	_ = 	snop  }
0x1a8: {  	[hbm4b:s29+s3] =	stream.linear.scatter [tilespmem:s3], [sflag:$0x1], $0x10000, $0x38;
	[tilespmem:$0x10000] =	vst v63  }
0x1a9: {  	_ = 	snop  }
0x1aa: {  	[hbm4b:s30+s3] =	stream.linear.scatter [tilespmem:s3], [sflag:$0x1], $0x10000, $0x38;
	[tilespmem:$0x10000] =	vst v63  }
0x1ab: {  	_ =	swait.ge [sflag:s2], $0x10000  }
0x1ac: {  	[sflag:s2] =	ssyncset.done $0x0  }
0x1ad: {  	[sflag:s2] =	ssyncadd.s32 $0xFFFF0000  }
0x1ae: {  	_ =	swait.ge [sflag:s2], $0x10000  }
0x1af: {  	[sflag:s2] =	ssyncset.done $0x0  }
0x1b0: {  	[sflag:s2] =	ssyncadd.s32 $0xFFFF0000  }
0x1b1: {  	_ =	swait.ge [sflag:s2], $0x10000  }
0x1b2: {  	[sflag:s2] =	ssyncset.done $0x0  }
0x1b3: {  	[sflag:s2] =	ssyncadd.s32 $0xFFFF0000  }
0x1b4: {  	_ =	swait.ge [sflag:s2], $0x10000  }
0x1b5: {  	[sflag:s2] =	ssyncset.done $0x0  }
0x1b6: {  	[sflag:s2] =	ssyncadd.s32 $0xFFFF0000  }
0x1b7: {  	_ =	swait.ge [sflag:s2], $0x10000  }
0x1b8: {  	[sflag:s2] =	ssyncset.done $0x0  }
0x1b9: {  	[sflag:s2] =	ssyncadd.s32 $0xFFFF0000  }
0x1ba: {  	_ =	swait.ge [sflag:s2], $0x10000  }
0x1bb: {  	[sflag:s2] =	ssyncset.done $0x0  }
0x1bc: {  	[sflag:s2] =	ssyncadd.s32 $0xFFFF0000  }
0x1bd: {  	_ =	swait.ge [sflag:s2], $0x10000  }
0x1be: {  	[sflag:s2] =	ssyncset.done $0x0  }
0x1bf: {  	[sflag:s2] =	ssyncadd.s32 $0xFFFF0000  }
0x1c0: {  	_ =	swait.ge [sflag:s2], $0x10000  }
0x1c1: {  	[sflag:s2] =	ssyncset.done $0x0  }
0x1c2: {  	[sflag:s2] =	ssyncadd.s32 $0xFFFF0000  }
0x1c3: {  	_ =	swait.ge [sflag:s2], $0x10000  }
0x1c4: {  	[sflag:s2] =	ssyncset.done $0x0  }
0x1c5: {  	[sflag:s2] =	ssyncadd.s32 $0xFFFF0000  }
0x1c6: {  	_ =	swait.ge [sflag:s2], $0x10000  }
0x1c7: {  	[sflag:s2] =	ssyncset.done $0x0  }
0x1c8: {  	[sflag:s2] =	ssyncadd.s32 $0xFFFF0000  }
0x1c9: {  	_ =	swait.ge [sflag:s2], $0x10000  }
0x1ca: {  	[sflag:s2] =	ssyncset.done $0x0  }
0x1cb: {  	[sflag:s2] =	ssyncadd.s32 $0xFFFF0000  }
0x1cc: {  	_ =	swait.ge [sflag:s2], $0x10000  }
0x1cd: {  	[sflag:s2] =	ssyncset.done $0x0  }
0x1ce: {  	[sflag:s2] =	ssyncadd.s32 $0xFFFF0000  }
0x1cf: {  	_ =	swait.ge [sflag:s2], $0x10000  }
0x1d0: {  	[sflag:s2] =	ssyncset.done $0x0  }
0x1d1: {  	[sflag:s2] =	ssyncadd.s32 $0xFFFF0000  }
0x1d2: {  	_ =	swait.ge [sflag:s2], $0x10000  }
0x1d3: {  	[sflag:s2] =	ssyncset.done $0x0  }
0x1d4: {  	[sflag:s2] =	ssyncadd.s32 $0xFFFF0000  }
0x1d5: {  	_ =	swait.ge [sflag:s2], $0x10000  }
0x1d6: {  	[sflag:s2] =	ssyncset.done $0x0  }
0x1d7: {  	[sflag:s2] =	ssyncadd.s32 $0xFFFF0000  }
0x1d8: {  	_ =	swait.ge [sflag:s2], $0x10000  }
0x1d9: {  	[sflag:s2] =	ssyncset.done $0x0  }
0x1da: {  	[sflag:s2] =	ssyncadd.s32 $0xFFFF0000  }
0x1db: {  	_ =	swait.ge [sflag:s2], $0x10000  }
0x1dc: {  	[sflag:s2] =	ssyncset.done $0x0  }
0x1dd: {  	[sflag:s2] =	ssyncadd.s32 $0xFFFF0000  }
0x1de: {  	_ =	swait.ge [sflag:s2], $0x10000  }
0x1df: {  	[sflag:s2] =	ssyncset.done $0x0  }
0x1e0: {  	[sflag:s2] =	ssyncadd.s32 $0xFFFF0000  }
0x1e1: {  	_ =	swait.ge [sflag:s2], $0x10000  }
0x1e2: {  	[sflag:s2] =	ssyncset.done $0x0  }
0x1e3: {  	[sflag:s2] =	ssyncadd.s32 $0xFFFF0000  }
0x1e4: {  	_ =	swait.ge [sflag:s2], $0x10000  }
0x1e5: {  	[sflag:s2] =	ssyncset.done $0x0  }
0x1e6: {  	[sflag:s2] =	ssyncadd.s32 $0xFFFF0000  }
0x1e7: {  	_ =	swait.ge [sflag:s2], $0x10000  }
0x1e8: {  	[sflag:s2] =	ssyncset.done $0x0  }
0x1e9: {  	[sflag:s2] =	ssyncadd.s32 $0xFFFF0000  }
0x1ea: {  	_ =	swait.ge [sflag:s2], $0x10000  }
0x1eb: {  	[sflag:s2] =	ssyncset.done $0x0  }
0x1ec: {  	[sflag:s2] =	ssyncadd.s32 $0xFFFF0000  }
0x1ed: {  	_ =	swait.ge [sflag:s2], $0x10000  }
0x1ee: {  	[sflag:s2] =	ssyncset.done $0x0  }
0x1ef: {  	[sflag:s2] =	ssyncadd.s32 $0xFFFF0000  }
0x1f0: {  	_ =	swait.ge [sflag:s2], $0x10000  }
0x1f1: {  	[sflag:s2] =	ssyncset.done $0x0  }
0x1f2: {  	[sflag:s2] =	ssyncadd.s32 $0xFFFF0000  }
0x1f3: {  	_ =	swait.ge [sflag:s2], $0x10000  }
0x1f4: {  	[sflag:s2] =	ssyncset.done $0x0  }
0x1f5: {  	[sflag:s2] =	ssyncadd.s32 $0xFFFF0000  }
0x1f6: {  	_ =	swait.ge [sflag:s2], $0x10000  }
0x1f7: {  	[sflag:s2] =	ssyncset.done $0x0  }
0x1f8: {  	[sflag:s2] =	ssyncadd.s32 $0xFFFF0000  }
0x1f9: {  	_ =	swait.ge [sflag:s2], $0x10000  }
0x1fa: {  	[sflag:s2] =	ssyncset.done $0x0  }
0x1fb: {  	[sflag:s2] =	ssyncadd.s32 $0xFFFF0000  }
0x1fc: {  	_ =	swait.ge [sflag:s2], $0x10000  }
0x1fd: {  	[sflag:s2] =	ssyncset.done $0x0  }
0x1fe: {  	[sflag:s2] =	ssyncadd.s32 $0xFFFF0000  }
0x1ff: {  	_ =	swait.ge [sflag:s2], $0x10000  }
0x200: {  	[sflag:s2] =	ssyncset.done $0x0  }
0x201: {  	[sflag:s2] =	ssyncadd.s32 $0xFFFF0000  }
0x202: {  	_ =	swait.ge [sflag:s2], $0x10000  }
0x203: {  	[sflag:s2] =	ssyncset.done $0x0  }
0x204: {  	[sflag:s2] =	ssyncadd.s32 $0xFFFF0000  }
0x205: {  	_ =	swait.ge [sflag:s2], $0x10000  }
0x206: {  	[sflag:s2] =	ssyncset.done $0x0  }
0x207: {  	[sflag:s2] =	ssyncadd.s32 $0xFFFF0000  }
0x208: {  	_ =	swait.ge [sflag:s2], $0x10000  }
0x209: {  	[sflag:s2] =	ssyncset.done $0x0  }
0x20a: {  	[sflag:s2] =	ssyncadd.s32 $0xFFFF0000  }
0x20b: {  	_ =	sfence.sel $0x180000  }
0x20c: {  	[bflag:$0x0] =	sbarrier.arrive $0xFFFF  }
0x20d: {  	_ =	strace $0x90000047  }
0x20e: {  	s31 =	stileid.u32;
	[bflag:$0x2] =	sbarrier.arrive $0xFFFF  }
0x20f: {  	p0 =	sne.s32 s31, $0x0;
	s0 =	rddreg [dreg:$0x2]  }
0x210: {  	s0 =	sadd.s32 @!p0 $0x100000, s0  }
0x211: {  	[sflag:s0] =	ssyncadd.tile.s32 @!p0 $0x1;
	_ =	shalt  }
.Lfunc_end2:
_tile_overlayer_lowered:
.L_overlay_start_2:
0x212: {  	(tag) =	ssettag $0x2  }
0x213: {  	s0 =	rddreg [dreg:$0x0];
	s2 =	stileid.u32  }
0x214: {  	s1 =	rddreg [dreg:$0x1];
	p0 =	sne.s32 s2, $0x0  }
0x215: {  	s3 =	rddreg [dreg:$0x2];
	[bflag:$0x3] =	sbarrier.arrive $0xFFFF;
	s2 =	simm.s32 @!p0 $0x1C02  }
0x216: {  	[timem:s3], [sflag:s2] =	dma.local @!p0 [hbm:s0], s1  }
0x217: {  	s0 =	simm.s32 @!p0 $0x2  }
0x218: {  	_ =	swait.ge @!p0 [sflag:s0], s1  }
0x219: {  	s1 =	ssub.s32 @!p0 $0x0, s1;
	[sflag:s0] =	ssyncset.done @!p0 $0x0  }
0x21a: {  	[sflag:s0] =	ssyncadd.s32 @!p0 s1  }
0x21b: {  	[bflag:$0x3] =	sbarrier.arrive $0xFFFF  }
0x21c: {  	_ =	shalt  }

</sc_bundles>
